<compile_context>
chip_gen: v7x
topology: tpu7x:2x2x1
jax: 0.10.2.dev20260603
libtpu: 0.0.44.dev20260713+nightly
codegen_flags: <defaults>
</compile_context>

<pallas_src>
import functools
import math

import jax
import jax.numpy as jnp
from jax import lax
from jax.experimental import pallas as pl
from jax.experimental.pallas import tpu as pltpu
from jax.experimental.pallas import tpu_sc as plsc

_B = 16384
_C = 1000
_CP = 1024
_N = _B * _C
_NP = _B * _CP
_ROWS = 512
_GRID = _B // _ROWS

_NCORES = 2
_NSUB = 16
_NTILES = _NCORES * _NSUB
_TROWS = _B // _NTILES
_CHUNK_R = 16
_VECS = _CHUNK_R * (_CP // 16)
_NB = 1 << 16

_CLEAN = {1: 0.9, 2: 0.8, 3: 0.7, 4: 0.6, 5: 0.5, 6: 0.4, 7: 0.3, 8: 0.2}
_K_TABLE = [0] + [math.ceil(_B * _C * (1 - _CLEAN[e])) for e in range(1, 9)]

_SC_PARAMS = pltpu.CompilerParams(needs_layout_passes=False)
_INF_BITS = 0x7F800000


def _prep_kernel(x_ref, y_ref, ub_ref, dl_ref, corr_ref):
    i = pl.program_id(0)
    x = x_ref[...]
    y = y_ref[...]
    y_c = jnp.maximum(y, 0)
    yf = y_c.astype(jnp.float32)
    sp = jnp.log1p(jnp.exp(-jnp.abs(x)))
    relu = jnp.maximum(x, 0.0)
    loss = relu - x * yf + sp
    corrected = relu - x * (1.0 - yf) + sp
    u = jnp.where(y == 0, loss, 0.0)
    ubits = lax.bitcast_convert_type(u, jnp.int32)
    delta = x * (1.0 - 2.0 * yf)
    zi = jnp.zeros((_ROWS, _CP - _C), jnp.int32)
    zf = jnp.zeros((_ROWS, _CP - _C), jnp.float32)
    ub_ref[...] = jnp.concatenate([ubits, zi], axis=1)
    dl_ref[...] = jnp.concatenate([delta, zf], axis=1)

    @pl.when(i == 0)
    def _():
        corr_ref[...] = jnp.zeros_like(corr_ref)

    corr_ref[...] += jnp.sum(corrected, axis=0, keepdims=True)


def _tile_id():
    return lax.axis_index("s") * _NCORES + lax.axis_index("c")


def _sc_cnt_body(lo_level, ub_hbm, base_hbm, cnt_out, ub_v, hc_v, base_v):
    wid = _tile_id()
    row0 = wid * _TROWS

    def zero_body(i, _):
        for u in range(4):
            hc_v[pl.ds((i * 4 + u) * 16, 16)] = jnp.zeros((16,), jnp.int32)
        return 0

    lax.fori_loop(0, _NB // 64, zero_body, 0)

    pltpu.sync_copy(base_hbm, base_v)
    bvec = base_v[...]
    ones = jnp.ones((16,), jnp.int32)
    zeros16 = jnp.zeros((16,), jnp.int32)

    def chunk_body(g, _):
        r = row0 + g * _CHUNK_R
        pltpu.sync_copy(ub_hbm.at[pl.ds(r, _CHUNK_R)], ub_v)

        def vec_body(i, _):
            for u in range(4):
                v = i * 4 + u
                ub = ub_v[v >> 6, pl.ds((v & 63) * 16, 16)]
                hi = lax.shift_right_logical(ub, 16)
                if lo_level:
                    m = hi == bvec
                    bin_ = ub & (_NB - 1)
                else:
                    m = ub != zeros16
                    bin_ = hi
                plsc.addupdate_scatter(hc_v, [bin_], ones, mask=m)
            return 0

        lax.fori_loop(0, _VECS // 4, vec_body, 0)
        return 0

    lax.fori_loop(0, _TROWS // _CHUNK_R, chunk_body, 0)
    pltpu.sync_copy(hc_v, cnt_out.at[wid])


def _sc_sum_body(ub_hbm, dl_hbm, thr_hbm, sum_out, ub_v, dl_v, thr_v, acc_v):
    wid = _tile_id()
    row0 = wid * _TROWS
    pltpu.sync_copy(thr_hbm, thr_v)
    tvec = thr_v[...]
    zf = jnp.zeros((16,), jnp.float32)

    def chunk_body(g, acc):
        r = row0 + g * _CHUNK_R
        pltpu.sync_copy(ub_hbm.at[pl.ds(r, _CHUNK_R)], ub_v)
        pltpu.sync_copy(dl_hbm.at[pl.ds(r, _CHUNK_R)], dl_v)

        def vec_body(i, a):
            for u in range(4):
                v = i * 4 + u
                ub = ub_v[v >> 6, pl.ds((v & 63) * 16, 16)]
                dl = dl_v[v >> 6, pl.ds((v & 63) * 16, 16)]
                a = a + jnp.where(ub < tvec, dl, zf)
            return a

        return lax.fori_loop(0, _VECS // 4, vec_body, acc)

    acc = lax.fori_loop(0, _TROWS // _CHUNK_R, chunk_body, zf)
    acc_v[...] = acc
    pltpu.sync_copy(acc_v, sum_out.at[wid])


_SC_MESH = plsc.VectorSubcoreMesh(core_axis_name="c", subcore_axis_name="s")


def _make_cnt_pass(lo_level):
    return pl.kernel(
        functools.partial(_sc_cnt_body, lo_level),
        out_type=jax.ShapeDtypeStruct((_NTILES, _NB), jnp.int32),
        mesh=_SC_MESH,
        compiler_params=_SC_PARAMS,
        scratch_types=[
            pltpu.VMEM((_CHUNK_R, _CP), jnp.int32),
            pltpu.VMEM((_NB,), jnp.int32),
            pltpu.VMEM((16,), jnp.int32),
        ],
        name=f"sc_cnt_{int(lo_level)}",
    )


_SUM_PASS = pl.kernel(
    _sc_sum_body,
    out_type=jax.ShapeDtypeStruct((_NTILES, 16), jnp.float32),
    mesh=_SC_MESH,
    compiler_params=_SC_PARAMS,
    scratch_types=[
        pltpu.VMEM((_CHUNK_R, _CP), jnp.int32),
        pltpu.VMEM((_CHUNK_R, _CP), jnp.float32),
        pltpu.VMEM((16,), jnp.int32),
        pltpu.VMEM((16,), jnp.float32),
    ],
    name="sc_sum",
)


def _select(c, prev_ge, k):
    above = prev_ge - jnp.sum(c)
    cum = above + jnp.cumsum(c[::-1])[::-1]
    jstar = jnp.sum((cum[1:] >= k).astype(jnp.int32))
    return jstar, cum[jstar]


def kernel(cls_score, label, epoch):
    in_spec = pl.BlockSpec((_ROWS, _C), lambda i: (i, 0))
    out_spec = pl.BlockSpec((_ROWS, _CP), lambda i: (i, 0))
    corr_spec = pl.BlockSpec((1, _C), lambda i: (0, 0))

    ubits, delta, corr = pl.pallas_call(
        _prep_kernel,
        grid=(_GRID,),
        in_specs=[in_spec, in_spec],
        out_specs=[out_spec, out_spec, corr_spec],
        out_shape=[
            jax.ShapeDtypeStruct((_B, _CP), jnp.int32),
            jax.ShapeDtypeStruct((_B, _CP), jnp.float32),
            jax.ShapeDtypeStruct((1, _C), jnp.float32),
        ],
    )(cls_score, label)

    idx = jnp.clip(jnp.asarray(epoch, jnp.int32), 0, 8)
    k = jnp.asarray(_K_TABLE, jnp.int32)[idx]

    zeros16 = jnp.zeros((16,), jnp.int32)
    cnt_hi = _make_cnt_pass(False)(ubits, zeros16)
    c_hi = jnp.sum(cnt_hi, axis=0)
    c_hi = c_hi.at[0].add(_NP - jnp.sum(c_hi))
    h_star, ge_hi = _select(c_hi, jnp.int32(_NP), k)

    cnt_lo = _make_cnt_pass(True)(ubits, jnp.broadcast_to(h_star, (16,)))
    c_lo = jnp.sum(cnt_lo, axis=0)
    l_star, _ = _select(c_lo, ge_hi, k)

    t_bits = (h_star << 16) | l_star
    t_bits = jnp.where(t_bits < 0, jnp.int32(_INF_BITS), t_bits)
    sums = _SUM_PASS(ubits, delta, jnp.broadcast_to(t_bits, (16,)))
    acc = jnp.sum(sums)

    total = jnp.sum(corr) + acc
    return total / jnp.float32(_N)

# --- scband reference (transcript-rebuilt; emitter-appended) ---
"""Pipeline reference for scband-noise-cross-entropy-loss-89137751261719 (READ-ONLY COPY).

The authoritative reference and input builder live on the scoring server;
editing this copy changes nothing except your own understanding.
"""

import jax, jax.numpy as jnp
import numpy as np
import math

B = 16384
C = 1000
LOSS_WEIGHT = 1.0

_CLEAN_RATE = {1: 0.9, 2: 0.8, 3: 0.7, 4: 0.6, 5: 0.5, 6: 0.4, 7: 0.3, 8: 0.2}


def setup_inputs(seed: int = 0) -> dict:
    key = jax.random.key(seed)
    k1, k2 = jax.random.split(key)
    cls_score = jax.random.normal(k1, (B, C), dtype=jnp.float32)
    label = jax.random.randint(k2, (B, C), 0, 2).astype(jnp.int32)
    return {"cls_score": cls_score, "label": label, "epoch": 1}


def _bce_with_logits(x, y):
    # elementwise binary_cross_entropy_with_logits, reduction='none'
    return jnp.maximum(x, 0.0) - x * y + jnp.log1p(jnp.exp(-jnp.abs(x)))


def reference(cls_score, label, epoch):
    # loss_an: BCE vs label.clip(0) and vs logical_not(label)
    label_c = jnp.clip(label, 0, None)
    y = label_c.astype(jnp.float32)
    loss_matrix = LOSS_WEIGHT * _bce_with_logits(cls_score, y)
    corrected_loss_matrix = LOSS_WEIGHT * _bce_with_logits(cls_score, (1 - label_c).astype(jnp.float32))

    unobserved_mask = (label == 0)

    def _epoch_zero(_):
        return loss_matrix

    def _make_llct(ep):
        clean_rate = _CLEAN_RATE.get(ep, 1.0)
        k = math.ceil(B * C * (1 - clean_rate))

        def _branch(_):
            # LL-Ct scheme
            unobserved_loss = unobserved_mask.astype(loss_matrix.dtype) * loss_matrix
            topk_vals, _ = jax.lax.top_k(unobserved_loss.reshape(-1), k)
            topk_lossvalue = topk_vals[-1]
            return jnp.where(unobserved_loss < topk_lossvalue, loss_matrix, corrected_loss_matrix)

        return _branch

    branches = [_epoch_zero] + [_make_llct(e) for e in range(1, 9)]
    idx = jnp.clip(epoch, 0, 8)
    final_loss_matrix = jax.lax.switch(idx, branches, None)

    main_loss = final_loss_matrix.mean()
    return main_loss

if __name__ == "__main__":
    import jax
    _d = setup_inputs()
    print(jax.jit(kernel)(*tuple(_d.values())))

</pallas_src>

<mosaic_0001>
#map = affine_map<(d0, d1) -> (0, 0)>
#map1 = affine_map<(d0, d1) -> (0)>
module attributes {stable_mosaic.version = 14 : i64} {
  func.func @sc_sum(%arg0: i32, %arg1: i32, %arg2: memref<16384x1024xi32, #tpu.memory_space<hbm>>, %arg3: memref<16384x1024xf32, #tpu.memory_space<hbm>>, %arg4: memref<16xi32, #tpu.memory_space<hbm>>, %arg5: memref<32x16xf32, #tpu.memory_space<hbm>>, %arg6: memref<16x1024xi32, #tpu.memory_space<vmem>>, %arg7: memref<16x1024xf32, #tpu.memory_space<vmem>>, %arg8: memref<16xi32, #tpu.memory_space<vmem>>, %arg9: memref<16xf32, #tpu.memory_space<vmem>>) attributes {dimension_semantics = [#tpu.dimension_semantics<core_parallel>, #tpu.dimension_semantics<subcore_parallel>], iteration_bounds = array<i64: 2, 16>, scalar_prefetch = 0 : i64, scratch_operands = 4 : i64, tpu.core_type = #tpu.core_type<sc_vector_subcore>, window_params = [{transform_indices = #map}, {transform_indices = #map}, {transform_indices = #map1}, {transform_indices = #map}]} {
    %mul3A = arith.constant 2 : i32
    %mul3A_0 = arith.muli %arg1, %mul3A : i32
    %add3A = arith.addi %mul3A_0, %arg0 : i32
    %mul3A_1 = arith.constant 512 : i32
    %mul3A_2 = arith.muli %add3A, %mul3A_1 : i32
    "tpu.region"() ({
      %run_scoped3A = tpu.sem_alloc : memref<!tpu.dma_semaphore, #tpu.memory_space<semaphore_mem>>
      tpu.enqueue_dma source(%arg4 : memref<16xi32, #tpu.memory_space<hbm>>) target(%arg8 : memref<16xi32, #tpu.memory_space<vmem>>) target_semaphore(%run_scoped3A : memref<!tpu.dma_semaphore, #tpu.memory_space<semaphore_mem>>)
      tpu.wait_dma2 semaphore(%run_scoped3A : memref<!tpu.dma_semaphore, #tpu.memory_space<semaphore_mem>>) src(%arg4 : memref<16xi32, #tpu.memory_space<hbm>>) dst(%arg8 : memref<16xi32, #tpu.memory_space<vmem>>)
      tpu.yield
    }) : () -> ()
    %get3A = arith.constant 0 : index
    %get3A_3 = tpu.vector_load %arg8[%get3A] {strides = array<i32>} : memref<16xi32, #tpu.memory_space<vmem>>, vector<16xi32>,
    %broadcast_in_dim3A = arith.constant 0.000000e+00 : f32
    %broadcast_in_dim3A_4 = vector.broadcast %broadcast_in_dim3A : f32 to vector<16xf32>
    %scan3A = arith.constant 0 : i32
    %scan3A_5 = arith.constant 32 : i32
    %scan3A_6 = arith.addi %scan3A, %scan3A_5 : i32
    %scan3A_7 = arith.constant 1 : i32
    %scan3A_8 = scf.for %scan3A_11 = %scan3A to %scan3A_6 step %scan3A_7 iter_args(%scan3A_12 = %broadcast_in_dim3A_4) -> (vector<16xf32>)  : i32 {
      %mul3A_13 = arith.constant 16 : i32
      %mul3A_14 = arith.muli %scan3A_11, %mul3A_13 : i32
      %add3A_15 = arith.addi %mul3A_2, %mul3A_14 : i32
      "tpu.region"() ({
        %run_scoped3A = tpu.sem_alloc : memref<!tpu.dma_semaphore, #tpu.memory_space<semaphore_mem>>
        %dma_start3A = arith.constant 0 : i32
        %dma_start3A_22 = tpu.memref_slice %arg2[%add3A_15, %dma_start3A] : memref<16384x1024xi32, #tpu.memory_space<hbm>> -> memref<16x1024xi32, #tpu.memory_space<hbm>>
        %dma_start3A_23 = arith.constant 0 : i32
        %dma_start3A_24 = tpu.memref_slice %arg2[%add3A_15, %dma_start3A_23] : memref<16384x1024xi32, #tpu.memory_space<hbm>> -> memref<16x1024xi32, #tpu.memory_space<hbm>>
        tpu.enqueue_dma source(%dma_start3A_24 : memref<16x1024xi32, #tpu.memory_space<hbm>>) target(%arg6 : memref<16x1024xi32, #tpu.memory_space<vmem>>) target_semaphore(%run_scoped3A : memref<!tpu.dma_semaphore, #tpu.memory_space<semaphore_mem>>)
        %dma_wait3A = arith.constant 0 : i32
        %dma_wait3A_25 = tpu.memref_slice %arg2[%add3A_15, %dma_wait3A] : memref<16384x1024xi32, #tpu.memory_space<hbm>> -> memref<16x1024xi32, #tpu.memory_space<hbm>>
        %dma_wait3A_26 = arith.constant 0 : i32
        %dma_wait3A_27 = tpu.memref_slice %arg2[%add3A_15, %dma_wait3A_26] : memref<16384x1024xi32, #tpu.memory_space<hbm>> -> memref<16x1024xi32, #tpu.memory_space<hbm>>
        tpu.wait_dma2 semaphore(%run_scoped3A : memref<!tpu.dma_semaphore, #tpu.memory_space<semaphore_mem>>) src(%dma_wait3A_27 : memref<16x1024xi32, #tpu.memory_space<hbm>>) dst(%arg6 : memref<16x1024xi32, #tpu.memory_space<vmem>>)
        tpu.yield
      }) : () -> ()
      "tpu.region"() ({
        %run_scoped3A = tpu.sem_alloc : memref<!tpu.dma_semaphore, #tpu.memory_space<semaphore_mem>>
        %dma_start3A = arith.constant 0 : i32
        %dma_start3A_22 = tpu.memref_slice %arg3[%add3A_15, %dma_start3A] : memref<16384x1024xf32, #tpu.memory_space<hbm>> -> memref<16x1024xf32, #tpu.memory_space<hbm>>
        %dma_start3A_23 = arith.constant 0 : i32
        %dma_start3A_24 = tpu.memref_slice %arg3[%add3A_15, %dma_start3A_23] : memref<16384x1024xf32, #tpu.memory_space<hbm>> -> memref<16x1024xf32, #tpu.memory_space<hbm>>
        tpu.enqueue_dma source(%dma_start3A_24 : memref<16x1024xf32, #tpu.memory_space<hbm>>) target(%arg7 : memref<16x1024xf32, #tpu.memory_space<vmem>>) target_semaphore(%run_scoped3A : memref<!tpu.dma_semaphore, #tpu.memory_space<semaphore_mem>>)
        %dma_wait3A = arith.constant 0 : i32
        %dma_wait3A_25 = tpu.memref_slice %arg3[%add3A_15, %dma_wait3A] : memref<16384x1024xf32, #tpu.memory_space<hbm>> -> memref<16x1024xf32, #tpu.memory_space<hbm>>
        %dma_wait3A_26 = arith.constant 0 : i32
        %dma_wait3A_27 = tpu.memref_slice %arg3[%add3A_15, %dma_wait3A_26] : memref<16384x1024xf32, #tpu.memory_space<hbm>> -> memref<16x1024xf32, #tpu.memory_space<hbm>>
        tpu.wait_dma2 semaphore(%run_scoped3A : memref<!tpu.dma_semaphore, #tpu.memory_space<semaphore_mem>>) src(%dma_wait3A_27 : memref<16x1024xf32, #tpu.memory_space<hbm>>) dst(%arg7 : memref<16x1024xf32, #tpu.memory_space<vmem>>)
        tpu.yield
      }) : () -> ()
      %scan3A_16 = arith.constant 0 : i32
      %scan3A_17 = arith.constant 256 : i32
      %scan3A_18 = arith.addi %scan3A_16, %scan3A_17 : i32
      %scan3A_19 = arith.constant 1 : i32
      %scan3A_20 = scf.for %scan3A_22 = %scan3A_16 to %scan3A_18 step %scan3A_19 iter_args(%scan3A_23 = %scan3A_12) -> (vector<16xf32>)  : i32 {
        %mul3A_24 = arith.constant 4 : i32
        %mul3A_25 = arith.muli %scan3A_22, %mul3A_24 : i32
        %add3A_26 = arith.constant 0 : i32
        %add3A_27 = arith.addi %mul3A_25, %add3A_26 : i32
        %shift_right_arithmetic3A = arith.constant 6 : i32
        %shift_right_arithmetic3A_28 = arith.shrsi %add3A_27, %shift_right_arithmetic3A : i32
        %and3A = arith.constant 63 : i32
        %and3A_29 = arith.andi %add3A_27, %and3A : i32
        %mul3A_30 = arith.constant 16 : i32
        %mul3A_31 = arith.muli %and3A_29, %mul3A_30 : i32
        %get3A_32 = arith.index_cast %shift_right_arithmetic3A_28 : i32 to index
        %get3A_33 = arith.index_cast %mul3A_31 : i32 to index
        %get3A_34 = tpu.vector_load %arg6[%get3A_32, %get3A_33] {strides = array<i32>} : memref<16x1024xi32, #tpu.memory_space<vmem>>, vector<16xi32>,
        %shift_right_arithmetic3A_35 = arith.constant 6 : i32
        %shift_right_arithmetic3A_36 = arith.shrsi %add3A_27, %shift_right_arithmetic3A_35 : i32
        %and3A_37 = arith.constant 63 : i32
        %and3A_38 = arith.andi %add3A_27, %and3A_37 : i32
        %mul3A_39 = arith.constant 16 : i32
        %mul3A_40 = arith.muli %and3A_38, %mul3A_39 : i32
        %get3A_41 = arith.index_cast %shift_right_arithmetic3A_36 : i32 to index
        %get3A_42 = arith.index_cast %mul3A_40 : i32 to index
        %get3A_43 = tpu.vector_load %arg7[%get3A_41, %get3A_42] {strides = array<i32>} : memref<16x1024xf32, #tpu.memory_space<vmem>>, vector<16xf32>,
        %lt3A = arith.cmpi slt, %get3A_34, %get3A_3 : vector<16xi32>
        %select_n3A = arith.select %lt3A, %get3A_43, %broadcast_in_dim3A_4 : vector<16xi1>, vector<16xf32>
        %add3A_44 = arith.addf %scan3A_23, %select_n3A : vector<16xf32>
        %mul3A_45 = arith.constant 4 : i32
        %mul3A_46 = arith.muli %scan3A_22, %mul3A_45 : i32
        %add3A_47 = arith.constant 1 : i32
        %add3A_48 = arith.addi %mul3A_46, %add3A_47 : i32
        %shift_right_arithmetic3A_49 = arith.constant 6 : i32
        %shift_right_arithmetic3A_50 = arith.shrsi %add3A_48, %shift_right_arithmetic3A_49 : i32
        %and3A_51 = arith.constant 63 : i32
        %and3A_52 = arith.andi %add3A_48, %and3A_51 : i32
        %mul3A_53 = arith.constant 16 : i32
        %mul3A_54 = arith.muli %and3A_52, %mul3A_53 : i32
        %get3A_55 = arith.index_cast %shift_right_arithmetic3A_50 : i32 to index
        %get3A_56 = arith.index_cast %mul3A_54 : i32 to index
        %get3A_57 = tpu.vector_load %arg6[%get3A_55, %get3A_56] {strides = array<i32>} : memref<16x1024xi32, #tpu.memory_space<vmem>>, vector<16xi32>,
        %shift_right_arithmetic3A_58 = arith.constant 6 : i32
        %shift_right_arithmetic3A_59 = arith.shrsi %add3A_48, %shift_right_arithmetic3A_58 : i32
        %and3A_60 = arith.constant 63 : i32
        %and3A_61 = arith.andi %add3A_48, %and3A_60 : i32
        %mul3A_62 = arith.constant 16 : i32
        %mul3A_63 = arith.muli %and3A_61, %mul3A_62 : i32
        %get3A_64 = arith.index_cast %shift_right_arithmetic3A_59 : i32 to index
        %get3A_65 = arith.index_cast %mul3A_63 : i32 to index
        %get3A_66 = tpu.vector_load %arg7[%get3A_64, %get3A_65] {strides = array<i32>} : memref<16x1024xf32, #tpu.memory_space<vmem>>, vector<16xf32>,
        %lt3A_67 = arith.cmpi slt, %get3A_57, %get3A_3 : vector<16xi32>
        %select_n3A_68 = arith.select %lt3A_67, %get3A_66, %broadcast_in_dim3A_4 : vector<16xi1>, vector<16xf32>
        %add3A_69 = arith.addf %add3A_44, %select_n3A_68 : vector<16xf32>
        %mul3A_70 = arith.constant 4 : i32
        %mul3A_71 = arith.muli %scan3A_22, %mul3A_70 : i32
        %add3A_72 = arith.constant 2 : i32
        %add3A_73 = arith.addi %mul3A_71, %add3A_72 : i32
        %shift_right_arithmetic3A_74 = arith.constant 6 : i32
        %shift_right_arithmetic3A_75 = arith.shrsi %add3A_73, %shift_right_arithmetic3A_74 : i32
        %and3A_76 = arith.constant 63 : i32
        %and3A_77 = arith.andi %add3A_73, %and3A_76 : i32
        %mul3A_78 = arith.constant 16 : i32
        %mul3A_79 = arith.muli %and3A_77, %mul3A_78 : i32
        %get3A_80 = arith.index_cast %shift_right_arithmetic3A_75 : i32 to index
        %get3A_81 = arith.index_cast %mul3A_79 : i32 to index
        %get3A_82 = tpu.vector_load %arg6[%get3A_80, %get3A_81] {strides = array<i32>} : memref<16x1024xi32, #tpu.memory_space<vmem>>, vector<16xi32>,
        %shift_right_arithmetic3A_83 = arith.constant 6 : i32
        %shift_right_arithmetic3A_84 = arith.shrsi %add3A_73, %shift_right_arithmetic3A_83 : i32
        %and3A_85 = arith.constant 63 : i32
        %and3A_86 = arith.andi %add3A_73, %and3A_85 : i32
        %mul3A_87 = arith.constant 16 : i32
        %mul3A_88 = arith.muli %and3A_86, %mul3A_87 : i32
        %get3A_89 = arith.index_cast %shift_right_arithmetic3A_84 : i32 to index
        %get3A_90 = arith.index_cast %mul3A_88 : i32 to index
        %get3A_91 = tpu.vector_load %arg7[%get3A_89, %get3A_90] {strides = array<i32>} : memref<16x1024xf32, #tpu.memory_space<vmem>>, vector<16xf32>,
        %lt3A_92 = arith.cmpi slt, %get3A_82, %get3A_3 : vector<16xi32>
        %select_n3A_93 = arith.select %lt3A_92, %get3A_91, %broadcast_in_dim3A_4 : vector<16xi1>, vector<16xf32>
        %add3A_94 = arith.addf %add3A_69, %select_n3A_93 : vector<16xf32>
        %mul3A_95 = arith.constant 4 : i32
        %mul3A_96 = arith.muli %scan3A_22, %mul3A_95 : i32
        %add3A_97 = arith.constant 3 : i32
        %add3A_98 = arith.addi %mul3A_96, %add3A_97 : i32
        %shift_right_arithmetic3A_99 = arith.constant 6 : i32
        %shift_right_arithmetic3A_100 = arith.shrsi %add3A_98, %shift_right_arithmetic3A_99 : i32
        %and3A_101 = arith.constant 63 : i32
        %and3A_102 = arith.andi %add3A_98, %and3A_101 : i32
        %mul3A_103 = arith.constant 16 : i32
        %mul3A_104 = arith.muli %and3A_102, %mul3A_103 : i32
        %get3A_105 = arith.index_cast %shift_right_arithmetic3A_100 : i32 to index
        %get3A_106 = arith.index_cast %mul3A_104 : i32 to index
        %get3A_107 = tpu.vector_load %arg6[%get3A_105, %get3A_106] {strides = array<i32>} : memref<16x1024xi32, #tpu.memory_space<vmem>>, vector<16xi32>,
        %shift_right_arithmetic3A_108 = arith.constant 6 : i32
        %shift_right_arithmetic3A_109 = arith.shrsi %add3A_98, %shift_right_arithmetic3A_108 : i32
        %and3A_110 = arith.constant 63 : i32
        %and3A_111 = arith.andi %add3A_98, %and3A_110 : i32
        %mul3A_112 = arith.constant 16 : i32
        %mul3A_113 = arith.muli %and3A_111, %mul3A_112 : i32
        %get3A_114 = arith.index_cast %shift_right_arithmetic3A_109 : i32 to index
        %get3A_115 = arith.index_cast %mul3A_113 : i32 to index
        %get3A_116 = tpu.vector_load %arg7[%get3A_114, %get3A_115] {strides = array<i32>} : memref<16x1024xf32, #tpu.memory_space<vmem>>, vector<16xf32>,
        %lt3A_117 = arith.cmpi slt, %get3A_107, %get3A_3 : vector<16xi32>
        %select_n3A_118 = arith.select %lt3A_117, %get3A_116, %broadcast_in_dim3A_4 : vector<16xi1>, vector<16xf32>
        %add3A_119 = arith.addf %add3A_94, %select_n3A_118 : vector<16xf32>
        scf.yield %add3A_119 : vector<16xf32>
      }
      %scan3A_21 = arith.constant 256 : i32
      scf.yield %scan3A_20 : vector<16xf32>
    }
    %scan3A_9 = arith.constant 32 : i32
    %swap3A = arith.constant 0 : index
    %swap3A_10 = tpu.vector_load %arg9[%swap3A] {strides = array<i32>} : memref<16xf32, #tpu.memory_space<vmem>>, vector<16xf32>,
    tpu.vector_store %arg9[%swap3A], %scan3A_8 {strides = array<i32>} : memref<16xf32, #tpu.memory_space<vmem>>, vector<16xf32>,
    "tpu.region"() ({
      %run_scoped3A = tpu.sem_alloc : memref<!tpu.dma_semaphore, #tpu.memory_space<semaphore_mem>>
      %dma_start3A = arith.constant 0 : i32
      %dma_start3A_11 = tpu.memref_slice %arg5[%add3A, %dma_start3A] : memref<32x16xf32, #tpu.memory_space<hbm>> -> memref<1x16xf32, #tpu.memory_space<hbm>>
      %dma_start3A_12 = tpu.memref_squeeze %dma_start3A_11 : memref<1x16xf32, #tpu.memory_space<hbm>> -> memref<16xf32, #tpu.memory_space<hbm>>
      %dma_start3A_13 = arith.constant 0 : i32
      %dma_start3A_14 = tpu.memref_slice %arg5[%add3A, %dma_start3A_13] : memref<32x16xf32, #tpu.memory_space<hbm>> -> memref<1x16xf32, #tpu.memory_space<hbm>>
      %dma_start3A_15 = tpu.memref_squeeze %dma_start3A_14 : memref<1x16xf32, #tpu.memory_space<hbm>> -> memref<16xf32, #tpu.memory_space<hbm>>
      tpu.enqueue_dma source(%arg9 : memref<16xf32, #tpu.memory_space<vmem>>) target(%dma_start3A_15 : memref<16xf32, #tpu.memory_space<hbm>>) target_semaphore(%run_scoped3A : memref<!tpu.dma_semaphore, #tpu.memory_space<semaphore_mem>>)
      %dma_wait3A = arith.constant 0 : i32
      %dma_wait3A_16 = tpu.memref_slice %arg5[%add3A, %dma_wait3A] : memref<32x16xf32, #tpu.memory_space<hbm>> -> memref<1x16xf32, #tpu.memory_space<hbm>>
      %dma_wait3A_17 = tpu.memref_squeeze %dma_wait3A_16 : memref<1x16xf32, #tpu.memory_space<hbm>> -> memref<16xf32, #tpu.memory_space<hbm>>
      %dma_wait3A_18 = arith.constant 0 : i32
      %dma_wait3A_19 = tpu.memref_slice %arg5[%add3A, %dma_wait3A_18] : memref<32x16xf32, #tpu.memory_space<hbm>> -> memref<1x16xf32, #tpu.memory_space<hbm>>
      %dma_wait3A_20 = tpu.memref_squeeze %dma_wait3A_19 : memref<1x16xf32, #tpu.memory_space<hbm>> -> memref<16xf32, #tpu.memory_space<hbm>>
      tpu.wait_dma2 semaphore(%run_scoped3A : memref<!tpu.dma_semaphore, #tpu.memory_space<semaphore_mem>>) src(%arg9 : memref<16xf32, #tpu.memory_space<vmem>>) dst(%dma_wait3A_20 : memref<16xf32, #tpu.memory_space<hbm>>)
      tpu.yield
    }) : () -> ()
    return
  }
}

#map = affine_map<(d0, d1) -> (0, 0)>
#map1 = affine_map<(d0, d1) -> (0)>
module attributes {stable_mosaic.version = 14 : i64} {
  func.func @sc_cnt_0(%arg0: i32, %arg1: i32, %arg2: memref<16384x1024xi32, #tpu.memory_space<hbm>>, %arg3: memref<16xi32, #tpu.memory_space<hbm>>, %arg4: memref<32x65536xi32, #tpu.memory_space<hbm>>, %arg5: memref<16x1024xi32, #tpu.memory_space<vmem>>, %arg6: memref<65536xi32, #tpu.memory_space<vmem>>, %arg7: memref<16xi32, #tpu.memory_space<vmem>>) attributes {dimension_semantics = [#tpu.dimension_semantics<core_parallel>, #tpu.dimension_semantics<subcore_parallel>], iteration_bounds = array<i64: 2, 16>, scalar_prefetch = 0 : i64, scratch_operands = 3 : i64, tpu.core_type = #tpu.core_type<sc_vector_subcore>, window_params = [{transform_indices = #map}, {transform_indices = #map1}, {transform_indices = #map}]} {
    %mul3A = arith.constant 2 : i32
    %mul3A_0 = arith.muli %arg1, %mul3A : i32
    %add3A = arith.addi %mul3A_0, %arg0 : i32
    %mul3A_1 = arith.constant 512 : i32
    %mul3A_2 = arith.muli %add3A, %mul3A_1 : i32
    %scan3A = arith.constant 0 : i32
    %scan3A_3 = arith.constant 0 : i32
    %scan3A_4 = arith.constant 1024 : i32
    %scan3A_5 = arith.addi %scan3A_3, %scan3A_4 : i32
    %scan3A_6 = arith.constant 1 : i32
    %scan3A_7 = scf.for %scan3A_20 = %scan3A_3 to %scan3A_5 step %scan3A_6 iter_args(%scan3A_21 = %scan3A) -> (i32)  : i32 {
      %broadcast_in_dim3A_22 = arith.constant 0 : i32
      %broadcast_in_dim3A_23 = vector.broadcast %broadcast_in_dim3A_22 : i32 to vector<16xi32>
      %mul3A_24 = arith.constant 4 : i32
      %mul3A_25 = arith.muli %scan3A_20, %mul3A_24 : i32
      %add3A_26 = arith.constant 0 : i32
      %add3A_27 = arith.addi %mul3A_25, %add3A_26 : i32
      %mul3A_28 = arith.constant 16 : i32
      %mul3A_29 = arith.muli %add3A_27, %mul3A_28 : i32
      %swap3A = arith.index_cast %mul3A_29 : i32 to index
      %swap3A_30 = tpu.vector_load %arg6[%swap3A] {strides = array<i32>} : memref<65536xi32, #tpu.memory_space<vmem>>, vector<16xi32>,
      tpu.vector_store %arg6[%swap3A], %broadcast_in_dim3A_23 {strides = array<i32>} : memref<65536xi32, #tpu.memory_space<vmem>>, vector<16xi32>,
      %broadcast_in_dim3A_31 = arith.constant 0 : i32
      %broadcast_in_dim3A_32 = vector.broadcast %broadcast_in_dim3A_31 : i32 to vector<16xi32>
      %mul3A_33 = arith.constant 4 : i32
      %mul3A_34 = arith.muli %scan3A_20, %mul3A_33 : i32
      %add3A_35 = arith.constant 1 : i32
      %add3A_36 = arith.addi %mul3A_34, %add3A_35 : i32
      %mul3A_37 = arith.constant 16 : i32
      %mul3A_38 = arith.muli %add3A_36, %mul3A_37 : i32
      %swap3A_39 = arith.index_cast %mul3A_38 : i32 to index
      %swap3A_40 = tpu.vector_load %arg6[%swap3A_39] {strides = array<i32>} : memref<65536xi32, #tpu.memory_space<vmem>>, vector<16xi32>,
      tpu.vector_store %arg6[%swap3A_39], %broadcast_in_dim3A_32 {strides = array<i32>} : memref<65536xi32, #tpu.memory_space<vmem>>, vector<16xi32>,
      %broadcast_in_dim3A_41 = arith.constant 0 : i32
      %broadcast_in_dim3A_42 = vector.broadcast %broadcast_in_dim3A_41 : i32 to vector<16xi32>
      %mul3A_43 = arith.constant 4 : i32
      %mul3A_44 = arith.muli %scan3A_20, %mul3A_43 : i32
      %add3A_45 = arith.constant 2 : i32
      %add3A_46 = arith.addi %mul3A_44, %add3A_45 : i32
      %mul3A_47 = arith.constant 16 : i32
      %mul3A_48 = arith.muli %add3A_46, %mul3A_47 : i32
      %swap3A_49 = arith.index_cast %mul3A_48 : i32 to index
      %swap3A_50 = tpu.vector_load %arg6[%swap3A_49] {strides = array<i32>} : memref<65536xi32, #tpu.memory_space<vmem>>, vector<16xi32>,
      tpu.vector_store %arg6[%swap3A_49], %broadcast_in_dim3A_42 {strides = array<i32>} : memref<65536xi32, #tpu.memory_space<vmem>>, vector<16xi32>,
      %broadcast_in_dim3A_51 = arith.constant 0 : i32
      %broadcast_in_dim3A_52 = vector.broadcast %broadcast_in_dim3A_51 : i32 to vector<16xi32>
      %mul3A_53 = arith.constant 4 : i32
      %mul3A_54 = arith.muli %scan3A_20, %mul3A_53 : i32
      %add3A_55 = arith.constant 3 : i32
      %add3A_56 = arith.addi %mul3A_54, %add3A_55 : i32
      %mul3A_57 = arith.constant 16 : i32
      %mul3A_58 = arith.muli %add3A_56, %mul3A_57 : i32
      %swap3A_59 = arith.index_cast %mul3A_58 : i32 to index
      %swap3A_60 = tpu.vector_load %arg6[%swap3A_59] {strides = array<i32>} : memref<65536xi32, #tpu.memory_space<vmem>>, vector<16xi32>,
      tpu.vector_store %arg6[%swap3A_59], %broadcast_in_dim3A_52 {strides = array<i32>} : memref<65536xi32, #tpu.memory_space<vmem>>, vector<16xi32>,
      %scan3A_61 = arith.constant 0 : i32
      scf.yield %scan3A_61 : i32
    }
    %scan3A_8 = arith.constant 1024 : i32
    "tpu.region"() ({
      %run_scoped3A = tpu.sem_alloc : memref<!tpu.dma_semaphore, #tpu.memory_space<semaphore_mem>>
      tpu.enqueue_dma source(%arg3 : memref<16xi32, #tpu.memory_space<hbm>>) target(%arg7 : memref<16xi32, #tpu.memory_space<vmem>>) target_semaphore(%run_scoped3A : memref<!tpu.dma_semaphore, #tpu.memory_space<semaphore_mem>>)
      tpu.wait_dma2 semaphore(%run_scoped3A : memref<!tpu.dma_semaphore, #tpu.memory_space<semaphore_mem>>) src(%arg3 : memref<16xi32, #tpu.memory_space<hbm>>) dst(%arg7 : memref<16xi32, #tpu.memory_space<vmem>>)
      tpu.yield
    }) : () -> ()
    %get3A = arith.constant 0 : index
    %get3A_9 = tpu.vector_load %arg7[%get3A] {strides = array<i32>} : memref<16xi32, #tpu.memory_space<vmem>>, vector<16xi32>,
    %broadcast_in_dim3A = arith.constant 1 : i32
    %broadcast_in_dim3A_10 = vector.broadcast %broadcast_in_dim3A : i32 to vector<16xi32>
    %broadcast_in_dim3A_11 = arith.constant 0 : i32
    %broadcast_in_dim3A_12 = vector.broadcast %broadcast_in_dim3A_11 : i32 to vector<16xi32>
    %scan3A_13 = arith.constant 0 : i32
    %scan3A_14 = arith.constant 0 : i32
    %scan3A_15 = arith.constant 32 : i32
    %scan3A_16 = arith.addi %scan3A_14, %scan3A_15 : i32
    %scan3A_17 = arith.constant 1 : i32
    %scan3A_18 = scf.for %scan3A_20 = %scan3A_14 to %scan3A_16 step %scan3A_17 iter_args(%scan3A_21 = %scan3A_13) -> (i32)  : i32 {
      %mul3A_22 = arith.constant 16 : i32
      %mul3A_23 = arith.muli %scan3A_20, %mul3A_22 : i32
      %add3A_24 = arith.addi %mul3A_2, %mul3A_23 : i32
      "tpu.region"() ({
        %run_scoped3A = tpu.sem_alloc : memref<!tpu.dma_semaphore, #tpu.memory_space<semaphore_mem>>
        %dma_start3A = arith.constant 0 : i32
        %dma_start3A_33 = tpu.memref_slice %arg2[%add3A_24, %dma_start3A] : memref<16384x1024xi32, #tpu.memory_space<hbm>> -> memref<16x1024xi32, #tpu.memory_space<hbm>>
        %dma_start3A_34 = arith.constant 0 : i32
        %dma_start3A_35 = tpu.memref_slice %arg2[%add3A_24, %dma_start3A_34] : memref<16384x1024xi32, #tpu.memory_space<hbm>> -> memref<16x1024xi32, #tpu.memory_space<hbm>>
        tpu.enqueue_dma source(%dma_start3A_35 : memref<16x1024xi32, #tpu.memory_space<hbm>>) target(%arg5 : memref<16x1024xi32, #tpu.memory_space<vmem>>) target_semaphore(%run_scoped3A : memref<!tpu.dma_semaphore, #tpu.memory_space<semaphore_mem>>)
        %dma_wait3A = arith.constant 0 : i32
        %dma_wait3A_36 = tpu.memref_slice %arg2[%add3A_24, %dma_wait3A] : memref<16384x1024xi32, #tpu.memory_space<hbm>> -> memref<16x1024xi32, #tpu.memory_space<hbm>>
        %dma_wait3A_37 = arith.constant 0 : i32
        %dma_wait3A_38 = tpu.memref_slice %arg2[%add3A_24, %dma_wait3A_37] : memref<16384x1024xi32, #tpu.memory_space<hbm>> -> memref<16x1024xi32, #tpu.memory_space<hbm>>
        tpu.wait_dma2 semaphore(%run_scoped3A : memref<!tpu.dma_semaphore, #tpu.memory_space<semaphore_mem>>) src(%dma_wait3A_38 : memref<16x1024xi32, #tpu.memory_space<hbm>>) dst(%arg5 : memref<16x1024xi32, #tpu.memory_space<vmem>>)
        tpu.yield
      }) : () -> ()
      %scan3A_25 = arith.constant 0 : i32
      %scan3A_26 = arith.constant 0 : i32
      %scan3A_27 = arith.constant 256 : i32
      %scan3A_28 = arith.addi %scan3A_26, %scan3A_27 : i32
      %scan3A_29 = arith.constant 1 : i32
      %scan3A_30 = scf.for %scan3A_33 = %scan3A_26 to %scan3A_28 step %scan3A_29 iter_args(%scan3A_34 = %scan3A_25) -> (i32)  : i32 {
        %mul3A_35 = arith.constant 4 : i32
        %mul3A_36 = arith.muli %scan3A_33, %mul3A_35 : i32
        %add3A_37 = arith.constant 0 : i32
        %add3A_38 = arith.addi %mul3A_36, %add3A_37 : i32
        %shift_right_arithmetic3A = arith.constant 6 : i32
        %shift_right_arithmetic3A_39 = arith.shrsi %add3A_38, %shift_right_arithmetic3A : i32
        %and3A = arith.constant 63 : i32
        %and3A_40 = arith.andi %add3A_38, %and3A : i32
        %mul3A_41 = arith.constant 16 : i32
        %mul3A_42 = arith.muli %and3A_40, %mul3A_41 : i32
        %get3A_43 = arith.index_cast %shift_right_arithmetic3A_39 : i32 to index
        %get3A_44 = arith.index_cast %mul3A_42 : i32 to index
        %get3A_45 = tpu.vector_load %arg5[%get3A_43, %get3A_44] {strides = array<i32>} : memref<16x1024xi32, #tpu.memory_space<vmem>>, vector<16xi32>,
        %shift_right_logical3A = arith.constant 16 : i32
        %shift_right_logical3A_46 = vector.broadcast %shift_right_logical3A : i32 to vector<16xi32>
        %shift_right_logical3A_47 = arith.shrui %get3A_45, %shift_right_logical3A_46 : vector<16xi32>
        %ne3A = arith.cmpi ne, %get3A_45, %broadcast_in_dim3A_12 : vector<16xi32>
        tpu.vector_store_idx %arg6[%shift_right_logical3A_47], %broadcast_in_dim3A_10 masked %ne3A {add = true} : memref<65536xi32, #tpu.memory_space<vmem>>[vector<16xi32>], vector<16xi32>, vector<16xi1>
        %mul3A_48 = arith.constant 4 : i32
        %mul3A_49 = arith.muli %scan3A_33, %mul3A_48 : i32
        %add3A_50 = arith.constant 1 : i32
        %add3A_51 = arith.addi %mul3A_49, %add3A_50 : i32
        %shift_right_arithmetic3A_52 = arith.constant 6 : i32
        %shift_right_arithmetic3A_53 = arith.shrsi %add3A_51, %shift_right_arithmetic3A_52 : i32
        %and3A_54 = arith.constant 63 : i32
        %and3A_55 = arith.andi %add3A_51, %and3A_54 : i32
        %mul3A_56 = arith.constant 16 : i32
        %mul3A_57 = arith.muli %and3A_55, %mul3A_56 : i32
        %get3A_58 = arith.index_cast %shift_right_arithmetic3A_53 : i32 to index
        %get3A_59 = arith.index_cast %mul3A_57 : i32 to index
        %get3A_60 = tpu.vector_load %arg5[%get3A_58, %get3A_59] {strides = array<i32>} : memref<16x1024xi32, #tpu.memory_space<vmem>>, vector<16xi32>,
        %shift_right_logical3A_61 = arith.constant 16 : i32
        %shift_right_logical3A_62 = vector.broadcast %shift_right_logical3A_61 : i32 to vector<16xi32>
        %shift_right_logical3A_63 = arith.shrui %get3A_60, %shift_right_logical3A_62 : vector<16xi32>
        %ne3A_64 = arith.cmpi ne, %get3A_60, %broadcast_in_dim3A_12 : vector<16xi32>
        tpu.vector_store_idx %arg6[%shift_right_logical3A_63], %broadcast_in_dim3A_10 masked %ne3A_64 {add = true} : memref<65536xi32, #tpu.memory_space<vmem>>[vector<16xi32>], vector<16xi32>, vector<16xi1>
        %mul3A_65 = arith.constant 4 : i32
        %mul3A_66 = arith.muli %scan3A_33, %mul3A_65 : i32
        %add3A_67 = arith.constant 2 : i32
        %add3A_68 = arith.addi %mul3A_66, %add3A_67 : i32
        %shift_right_arithmetic3A_69 = arith.constant 6 : i32
        %shift_right_arithmetic3A_70 = arith.shrsi %add3A_68, %shift_right_arithmetic3A_69 : i32
        %and3A_71 = arith.constant 63 : i32
        %and3A_72 = arith.andi %add3A_68, %and3A_71 : i32
        %mul3A_73 = arith.constant 16 : i32
        %mul3A_74 = arith.muli %and3A_72, %mul3A_73 : i32
        %get3A_75 = arith.index_cast %shift_right_arithmetic3A_70 : i32 to index
        %get3A_76 = arith.index_cast %mul3A_74 : i32 to index
        %get3A_77 = tpu.vector_load %arg5[%get3A_75, %get3A_76] {strides = array<i32>} : memref<16x1024xi32, #tpu.memory_space<vmem>>, vector<16xi32>,
        %shift_right_logical3A_78 = arith.constant 16 : i32
        %shift_right_logical3A_79 = vector.broadcast %shift_right_logical3A_78 : i32 to vector<16xi32>
        %shift_right_logical3A_80 = arith.shrui %get3A_77, %shift_right_logical3A_79 : vector<16xi32>
        %ne3A_81 = arith.cmpi ne, %get3A_77, %broadcast_in_dim3A_12 : vector<16xi32>
        tpu.vector_store_idx %arg6[%shift_right_logical3A_80], %broadcast_in_dim3A_10 masked %ne3A_81 {add = true} : memref<65536xi32, #tpu.memory_space<vmem>>[vector<16xi32>], vector<16xi32>, vector<16xi1>
        %mul3A_82 = arith.constant 4 : i32
        %mul3A_83 = arith.muli %scan3A_33, %mul3A_82 : i32
        %add3A_84 = arith.constant 3 : i32
        %add3A_85 = arith.addi %mul3A_83, %add3A_84 : i32
        %shift_right_arithmetic3A_86 = arith.constant 6 : i32
        %shift_right_arithmetic3A_87 = arith.shrsi %add3A_85, %shift_right_arithmetic3A_86 : i32
        %and3A_88 = arith.constant 63 : i32
        %and3A_89 = arith.andi %add3A_85, %and3A_88 : i32
        %mul3A_90 = arith.constant 16 : i32
        %mul3A_91 = arith.muli %and3A_89, %mul3A_90 : i32
        %get3A_92 = arith.index_cast %shift_right_arithmetic3A_87 : i32 to index
        %get3A_93 = arith.index_cast %mul3A_91 : i32 to index
        %get3A_94 = tpu.vector_load %arg5[%get3A_92, %get3A_93] {strides = array<i32>} : memref<16x1024xi32, #tpu.memory_space<vmem>>, vector<16xi32>,
        %shift_right_logical3A_95 = arith.constant 16 : i32
        %shift_right_logical3A_96 = vector.broadcast %shift_right_logical3A_95 : i32 to vector<16xi32>
        %shift_right_logical3A_97 = arith.shrui %get3A_94, %shift_right_logical3A_96 : vector<16xi32>
        %ne3A_98 = arith.cmpi ne, %get3A_94, %broadcast_in_dim3A_12 : vector<16xi32>
        tpu.vector_store_idx %arg6[%shift_right_logical3A_97], %broadcast_in_dim3A_10 masked %ne3A_98 {add = true} : memref<65536xi32, #tpu.memory_space<vmem>>[vector<16xi32>], vector<16xi32>, vector<16xi1>
        %scan3A_99 = arith.constant 0 : i32
        scf.yield %scan3A_99 : i32
      }
      %scan3A_31 = arith.constant 256 : i32
      %scan3A_32 = arith.constant 0 : i32
      scf.yield %scan3A_32 : i32
    }
    %scan3A_19 = arith.constant 32 : i32
    "tpu.region"() ({
      %run_scoped3A = tpu.sem_alloc : memref<!tpu.dma_semaphore, #tpu.memory_space<semaphore_mem>>
      %dma_start3A = arith.constant 0 : i32
      %dma_start3A_20 = tpu.memref_slice %arg4[%add3A, %dma_start3A] : memref<32x65536xi32, #tpu.memory_space<hbm>> -> memref<1x65536xi32, #tpu.memory_space<hbm>>
      %dma_start3A_21 = tpu.memref_squeeze %dma_start3A_20 : memref<1x65536xi32, #tpu.memory_space<hbm>> -> memref<65536xi32, #tpu.memory_space<hbm>>
      %dma_start3A_22 = arith.constant 0 : i32
      %dma_start3A_23 = tpu.memref_slice %arg4[%add3A, %dma_start3A_22] : memref<32x65536xi32, #tpu.memory_space<hbm>> -> memref<1x65536xi32, #tpu.memory_space<hbm>>
      %dma_start3A_24 = tpu.memref_squeeze %dma_start3A_23 : memref<1x65536xi32, #tpu.memory_space<hbm>> -> memref<65536xi32, #tpu.memory_space<hbm>>
      tpu.enqueue_dma source(%arg6 : memref<65536xi32, #tpu.memory_space<vmem>>) target(%dma_start3A_24 : memref<65536xi32, #tpu.memory_space<hbm>>) target_semaphore(%run_scoped3A : memref<!tpu.dma_semaphore, #tpu.memory_space<semaphore_mem>>)
      %dma_wait3A = arith.constant 0 : i32
      %dma_wait3A_25 = tpu.memref_slice %arg4[%add3A, %dma_wait3A] : memref<32x65536xi32, #tpu.memory_space<hbm>> -> memref<1x65536xi32, #tpu.memory_space<hbm>>
      %dma_wait3A_26 = tpu.memref_squeeze %dma_wait3A_25 : memref<1x65536xi32, #tpu.memory_space<hbm>> -> memref<65536xi32, #tpu.memory_space<hbm>>
      %dma_wait3A_27 = arith.constant 0 : i32
      %dma_wait3A_28 = tpu.memref_slice %arg4[%add3A, %dma_wait3A_27] : memref<32x65536xi32, #tpu.memory_space<hbm>> -> memref<1x65536xi32, #tpu.memory_space<hbm>>
      %dma_wait3A_29 = tpu.memref_squeeze %dma_wait3A_28 : memref<1x65536xi32, #tpu.memory_space<hbm>> -> memref<65536xi32, #tpu.memory_space<hbm>>
      tpu.wait_dma2 semaphore(%run_scoped3A : memref<!tpu.dma_semaphore, #tpu.memory_space<semaphore_mem>>) src(%arg6 : memref<65536xi32, #tpu.memory_space<vmem>>) dst(%dma_wait3A_29 : memref<65536xi32, #tpu.memory_space<hbm>>)
      tpu.yield
    }) : () -> ()
    return
  }
}

#map = affine_map<(d0, d1) -> (0, 0)>
#map1 = affine_map<(d0, d1) -> (0)>
module attributes {stable_mosaic.version = 14 : i64} {
  func.func @sc_cnt_1(%arg0: i32, %arg1: i32, %arg2: memref<16384x1024xi32, #tpu.memory_space<hbm>>, %arg3: memref<16xi32, #tpu.memory_space<hbm>>, %arg4: memref<32x65536xi32, #tpu.memory_space<hbm>>, %arg5: memref<16x1024xi32, #tpu.memory_space<vmem>>, %arg6: memref<65536xi32, #tpu.memory_space<vmem>>, %arg7: memref<16xi32, #tpu.memory_space<vmem>>) attributes {dimension_semantics = [#tpu.dimension_semantics<core_parallel>, #tpu.dimension_semantics<subcore_parallel>], iteration_bounds = array<i64: 2, 16>, scalar_prefetch = 0 : i64, scratch_operands = 3 : i64, tpu.core_type = #tpu.core_type<sc_vector_subcore>, window_params = [{transform_indices = #map}, {transform_indices = #map1}, {transform_indices = #map}]} {
    %mul3A = arith.constant 2 : i32
    %mul3A_0 = arith.muli %arg1, %mul3A : i32
    %add3A = arith.addi %mul3A_0, %arg0 : i32
    %mul3A_1 = arith.constant 512 : i32
    %mul3A_2 = arith.muli %add3A, %mul3A_1 : i32
    %scan3A = arith.constant 0 : i32
    %scan3A_3 = arith.constant 0 : i32
    %scan3A_4 = arith.constant 1024 : i32
    %scan3A_5 = arith.addi %scan3A_3, %scan3A_4 : i32
    %scan3A_6 = arith.constant 1 : i32
    %scan3A_7 = scf.for %scan3A_20 = %scan3A_3 to %scan3A_5 step %scan3A_6 iter_args(%scan3A_21 = %scan3A) -> (i32)  : i32 {
      %broadcast_in_dim3A_22 = arith.constant 0 : i32
      %broadcast_in_dim3A_23 = vector.broadcast %broadcast_in_dim3A_22 : i32 to vector<16xi32>
      %mul3A_24 = arith.constant 4 : i32
      %mul3A_25 = arith.muli %scan3A_20, %mul3A_24 : i32
      %add3A_26 = arith.constant 0 : i32
      %add3A_27 = arith.addi %mul3A_25, %add3A_26 : i32
      %mul3A_28 = arith.constant 16 : i32
      %mul3A_29 = arith.muli %add3A_27, %mul3A_28 : i32
      %swap3A = arith.index_cast %mul3A_29 : i32 to index
      %swap3A_30 = tpu.vector_load %arg6[%swap3A] {strides = array<i32>} : memref<65536xi32, #tpu.memory_space<vmem>>, vector<16xi32>,
      tpu.vector_store %arg6[%swap3A], %broadcast_in_dim3A_23 {strides = array<i32>} : memref<65536xi32, #tpu.memory_space<vmem>>, vector<16xi32>,
      %broadcast_in_dim3A_31 = arith.constant 0 : i32
      %broadcast_in_dim3A_32 = vector.broadcast %broadcast_in_dim3A_31 : i32 to vector<16xi32>
      %mul3A_33 = arith.constant 4 : i32
      %mul3A_34 = arith.muli %scan3A_20, %mul3A_33 : i32
      %add3A_35 = arith.constant 1 : i32
      %add3A_36 = arith.addi %mul3A_34, %add3A_35 : i32
      %mul3A_37 = arith.constant 16 : i32
      %mul3A_38 = arith.muli %add3A_36, %mul3A_37 : i32
      %swap3A_39 = arith.index_cast %mul3A_38 : i32 to index
      %swap3A_40 = tpu.vector_load %arg6[%swap3A_39] {strides = array<i32>} : memref<65536xi32, #tpu.memory_space<vmem>>, vector<16xi32>,
      tpu.vector_store %arg6[%swap3A_39], %broadcast_in_dim3A_32 {strides = array<i32>} : memref<65536xi32, #tpu.memory_space<vmem>>, vector<16xi32>,
      %broadcast_in_dim3A_41 = arith.constant 0 : i32
      %broadcast_in_dim3A_42 = vector.broadcast %broadcast_in_dim3A_41 : i32 to vector<16xi32>
      %mul3A_43 = arith.constant 4 : i32
      %mul3A_44 = arith.muli %scan3A_20, %mul3A_43 : i32
      %add3A_45 = arith.constant 2 : i32
      %add3A_46 = arith.addi %mul3A_44, %add3A_45 : i32
      %mul3A_47 = arith.constant 16 : i32
      %mul3A_48 = arith.muli %add3A_46, %mul3A_47 : i32
      %swap3A_49 = arith.index_cast %mul3A_48 : i32 to index
      %swap3A_50 = tpu.vector_load %arg6[%swap3A_49] {strides = array<i32>} : memref<65536xi32, #tpu.memory_space<vmem>>, vector<16xi32>,
      tpu.vector_store %arg6[%swap3A_49], %broadcast_in_dim3A_42 {strides = array<i32>} : memref<65536xi32, #tpu.memory_space<vmem>>, vector<16xi32>,
      %broadcast_in_dim3A_51 = arith.constant 0 : i32
      %broadcast_in_dim3A_52 = vector.broadcast %broadcast_in_dim3A_51 : i32 to vector<16xi32>
      %mul3A_53 = arith.constant 4 : i32
      %mul3A_54 = arith.muli %scan3A_20, %mul3A_53 : i32
      %add3A_55 = arith.constant 3 : i32
      %add3A_56 = arith.addi %mul3A_54, %add3A_55 : i32
      %mul3A_57 = arith.constant 16 : i32
      %mul3A_58 = arith.muli %add3A_56, %mul3A_57 : i32
      %swap3A_59 = arith.index_cast %mul3A_58 : i32 to index
      %swap3A_60 = tpu.vector_load %arg6[%swap3A_59] {strides = array<i32>} : memref<65536xi32, #tpu.memory_space<vmem>>, vector<16xi32>,
      tpu.vector_store %arg6[%swap3A_59], %broadcast_in_dim3A_52 {strides = array<i32>} : memref<65536xi32, #tpu.memory_space<vmem>>, vector<16xi32>,
      %scan3A_61 = arith.constant 0 : i32
      scf.yield %scan3A_61 : i32
    }
    %scan3A_8 = arith.constant 1024 : i32
    "tpu.region"() ({
      %run_scoped3A = tpu.sem_alloc : memref<!tpu.dma_semaphore, #tpu.memory_space<semaphore_mem>>
      tpu.enqueue_dma source(%arg3 : memref<16xi32, #tpu.memory_space<hbm>>) target(%arg7 : memref<16xi32, #tpu.memory_space<vmem>>) target_semaphore(%run_scoped3A : memref<!tpu.dma_semaphore, #tpu.memory_space<semaphore_mem>>)
      tpu.wait_dma2 semaphore(%run_scoped3A : memref<!tpu.dma_semaphore, #tpu.memory_space<semaphore_mem>>) src(%arg3 : memref<16xi32, #tpu.memory_space<hbm>>) dst(%arg7 : memref<16xi32, #tpu.memory_space<vmem>>)
      tpu.yield
    }) : () -> ()
    %get3A = arith.constant 0 : index
    %get3A_9 = tpu.vector_load %arg7[%get3A] {strides = array<i32>} : memref<16xi32, #tpu.memory_space<vmem>>, vector<16xi32>,
    %broadcast_in_dim3A = arith.constant 1 : i32
    %broadcast_in_dim3A_10 = vector.broadcast %broadcast_in_dim3A : i32 to vector<16xi32>
    %broadcast_in_dim3A_11 = arith.constant 0 : i32
    %broadcast_in_dim3A_12 = vector.broadcast %broadcast_in_dim3A_11 : i32 to vector<16xi32>
    %scan3A_13 = arith.constant 0 : i32
    %scan3A_14 = arith.constant 0 : i32
    %scan3A_15 = arith.constant 32 : i32
    %scan3A_16 = arith.addi %scan3A_14, %scan3A_15 : i32
    %scan3A_17 = arith.constant 1 : i32
    %scan3A_18 = scf.for %scan3A_20 = %scan3A_14 to %scan3A_16 step %scan3A_17 iter_args(%scan3A_21 = %scan3A_13) -> (i32)  : i32 {
      %mul3A_22 = arith.constant 16 : i32
      %mul3A_23 = arith.muli %scan3A_20, %mul3A_22 : i32
      %add3A_24 = arith.addi %mul3A_2, %mul3A_23 : i32
      "tpu.region"() ({
        %run_scoped3A = tpu.sem_alloc : memref<!tpu.dma_semaphore, #tpu.memory_space<semaphore_mem>>
        %dma_start3A = arith.constant 0 : i32
        %dma_start3A_33 = tpu.memref_slice %arg2[%add3A_24, %dma_start3A] : memref<16384x1024xi32, #tpu.memory_space<hbm>> -> memref<16x1024xi32, #tpu.memory_space<hbm>>
        %dma_start3A_34 = arith.constant 0 : i32
        %dma_start3A_35 = tpu.memref_slice %arg2[%add3A_24, %dma_start3A_34] : memref<16384x1024xi32, #tpu.memory_space<hbm>> -> memref<16x1024xi32, #tpu.memory_space<hbm>>
        tpu.enqueue_dma source(%dma_start3A_35 : memref<16x1024xi32, #tpu.memory_space<hbm>>) target(%arg5 : memref<16x1024xi32, #tpu.memory_space<vmem>>) target_semaphore(%run_scoped3A : memref<!tpu.dma_semaphore, #tpu.memory_space<semaphore_mem>>)
        %dma_wait3A = arith.constant 0 : i32
        %dma_wait3A_36 = tpu.memref_slice %arg2[%add3A_24, %dma_wait3A] : memref<16384x1024xi32, #tpu.memory_space<hbm>> -> memref<16x1024xi32, #tpu.memory_space<hbm>>
        %dma_wait3A_37 = arith.constant 0 : i32
        %dma_wait3A_38 = tpu.memref_slice %arg2[%add3A_24, %dma_wait3A_37] : memref<16384x1024xi32, #tpu.memory_space<hbm>> -> memref<16x1024xi32, #tpu.memory_space<hbm>>
        tpu.wait_dma2 semaphore(%run_scoped3A : memref<!tpu.dma_semaphore, #tpu.memory_space<semaphore_mem>>) src(%dma_wait3A_38 : memref<16x1024xi32, #tpu.memory_space<hbm>>) dst(%arg5 : memref<16x1024xi32, #tpu.memory_space<vmem>>)
        tpu.yield
      }) : () -> ()
      %scan3A_25 = arith.constant 0 : i32
      %scan3A_26 = arith.constant 0 : i32
      %scan3A_27 = arith.constant 256 : i32
      %scan3A_28 = arith.addi %scan3A_26, %scan3A_27 : i32
      %scan3A_29 = arith.constant 1 : i32
      %scan3A_30 = scf.for %scan3A_33 = %scan3A_26 to %scan3A_28 step %scan3A_29 iter_args(%scan3A_34 = %scan3A_25) -> (i32)  : i32 {
        %mul3A_35 = arith.constant 4 : i32
        %mul3A_36 = arith.muli %scan3A_33, %mul3A_35 : i32
        %add3A_37 = arith.constant 0 : i32
        %add3A_38 = arith.addi %mul3A_36, %add3A_37 : i32
        %shift_right_arithmetic3A = arith.constant 6 : i32
        %shift_right_arithmetic3A_39 = arith.shrsi %add3A_38, %shift_right_arithmetic3A : i32
        %and3A = arith.constant 63 : i32
        %and3A_40 = arith.andi %add3A_38, %and3A : i32
        %mul3A_41 = arith.constant 16 : i32
        %mul3A_42 = arith.muli %and3A_40, %mul3A_41 : i32
        %get3A_43 = arith.index_cast %shift_right_arithmetic3A_39 : i32 to index
        %get3A_44 = arith.index_cast %mul3A_42 : i32 to index
        %get3A_45 = tpu.vector_load %arg5[%get3A_43, %get3A_44] {strides = array<i32>} : memref<16x1024xi32, #tpu.memory_space<vmem>>, vector<16xi32>,
        %shift_right_logical3A = arith.constant 16 : i32
        %shift_right_logical3A_46 = vector.broadcast %shift_right_logical3A : i32 to vector<16xi32>
        %shift_right_logical3A_47 = arith.shrui %get3A_45, %shift_right_logical3A_46 : vector<16xi32>
        %eq3A = arith.cmpi eq, %shift_right_logical3A_47, %get3A_9 : vector<16xi32>
        %and3A_48 = arith.constant 65535 : i32
        %and3A_49 = vector.broadcast %and3A_48 : i32 to vector<16xi32>
        %and3A_50 = arith.andi %get3A_45, %and3A_49 : vector<16xi32>
        tpu.vector_store_idx %arg6[%and3A_50], %broadcast_in_dim3A_10 masked %eq3A {add = true} : memref<65536xi32, #tpu.memory_space<vmem>>[vector<16xi32>], vector<16xi32>, vector<16xi1>
        %mul3A_51 = arith.constant 4 : i32
        %mul3A_52 = arith.muli %scan3A_33, %mul3A_51 : i32
        %add3A_53 = arith.constant 1 : i32
        %add3A_54 = arith.addi %mul3A_52, %add3A_53 : i32
        %shift_right_arithmetic3A_55 = arith.constant 6 : i32
        %shift_right_arithmetic3A_56 = arith.shrsi %add3A_54, %shift_right_arithmetic3A_55 : i32
        %and3A_57 = arith.constant 63 : i32
        %and3A_58 = arith.andi %add3A_54, %and3A_57 : i32
        %mul3A_59 = arith.constant 16 : i32
        %mul3A_60 = arith.muli %and3A_58, %mul3A_59 : i32
        %get3A_61 = arith.index_cast %shift_right_arithmetic3A_56 : i32 to index
        %get3A_62 = arith.index_cast %mul3A_60 : i32 to index
        %get3A_63 = tpu.vector_load %arg5[%get3A_61, %get3A_62] {strides = array<i32>} : memref<16x1024xi32, #tpu.memory_space<vmem>>, vector<16xi32>,
        %shift_right_logical3A_64 = arith.constant 16 : i32
        %shift_right_logical3A_65 = vector.broadcast %shift_right_logical3A_64 : i32 to vector<16xi32>
        %shift_right_logical3A_66 = arith.shrui %get3A_63, %shift_right_logical3A_65 : vector<16xi32>
        %eq3A_67 = arith.cmpi eq, %shift_right_logical3A_66, %get3A_9 : vector<16xi32>
        %and3A_68 = arith.constant 65535 : i32
        %and3A_69 = vector.broadcast %and3A_68 : i32 to vector<16xi32>
        %and3A_70 = arith.andi %get3A_63, %and3A_69 : vector<16xi32>
        tpu.vector_store_idx %arg6[%and3A_70], %broadcast_in_dim3A_10 masked %eq3A_67 {add = true} : memref<65536xi32, #tpu.memory_space<vmem>>[vector<16xi32>], vector<16xi32>, vector<16xi1>
        %mul3A_71 = arith.constant 4 : i32
        %mul3A_72 = arith.muli %scan3A_33, %mul3A_71 : i32
        %add3A_73 = arith.constant 2 : i32
        %add3A_74 = arith.addi %mul3A_72, %add3A_73 : i32
        %shift_right_arithmetic3A_75 = arith.constant 6 : i32
        %shift_right_arithmetic3A_76 = arith.shrsi %add3A_74, %shift_right_arithmetic3A_75 : i32
        %and3A_77 = arith.constant 63 : i32
        %and3A_78 = arith.andi %add3A_74, %and3A_77 : i32
        %mul3A_79 = arith.constant 16 : i32
        %mul3A_80 = arith.muli %and3A_78, %mul3A_79 : i32
        %get3A_81 = arith.index_cast %shift_right_arithmetic3A_76 : i32 to index
        %get3A_82 = arith.index_cast %mul3A_80 : i32 to index
        %get3A_83 = tpu.vector_load %arg5[%get3A_81, %get3A_82] {strides = array<i32>} : memref<16x1024xi32, #tpu.memory_space<vmem>>, vector<16xi32>,
        %shift_right_logical3A_84 = arith.constant 16 : i32
        %shift_right_logical3A_85 = vector.broadcast %shift_right_logical3A_84 : i32 to vector<16xi32>
        %shift_right_logical3A_86 = arith.shrui %get3A_83, %shift_right_logical3A_85 : vector<16xi32>
        %eq3A_87 = arith.cmpi eq, %shift_right_logical3A_86, %get3A_9 : vector<16xi32>
        %and3A_88 = arith.constant 65535 : i32
        %and3A_89 = vector.broadcast %and3A_88 : i32 to vector<16xi32>
        %and3A_90 = arith.andi %get3A_83, %and3A_89 : vector<16xi32>
        tpu.vector_store_idx %arg6[%and3A_90], %broadcast_in_dim3A_10 masked %eq3A_87 {add = true} : memref<65536xi32, #tpu.memory_space<vmem>>[vector<16xi32>], vector<16xi32>, vector<16xi1>
        %mul3A_91 = arith.constant 4 : i32
        %mul3A_92 = arith.muli %scan3A_33, %mul3A_91 : i32
        %add3A_93 = arith.constant 3 : i32
        %add3A_94 = arith.addi %mul3A_92, %add3A_93 : i32
        %shift_right_arithmetic3A_95 = arith.constant 6 : i32
        %shift_right_arithmetic3A_96 = arith.shrsi %add3A_94, %shift_right_arithmetic3A_95 : i32
        %and3A_97 = arith.constant 63 : i32
        %and3A_98 = arith.andi %add3A_94, %and3A_97 : i32
        %mul3A_99 = arith.constant 16 : i32
        %mul3A_100 = arith.muli %and3A_98, %mul3A_99 : i32
        %get3A_101 = arith.index_cast %shift_right_arithmetic3A_96 : i32 to index
        %get3A_102 = arith.index_cast %mul3A_100 : i32 to index
        %get3A_103 = tpu.vector_load %arg5[%get3A_101, %get3A_102] {strides = array<i32>} : memref<16x1024xi32, #tpu.memory_space<vmem>>, vector<16xi32>,
        %shift_right_logical3A_104 = arith.constant 16 : i32
        %shift_right_logical3A_105 = vector.broadcast %shift_right_logical3A_104 : i32 to vector<16xi32>
        %shift_right_logical3A_106 = arith.shrui %get3A_103, %shift_right_logical3A_105 : vector<16xi32>
        %eq3A_107 = arith.cmpi eq, %shift_right_logical3A_106, %get3A_9 : vector<16xi32>
        %and3A_108 = arith.constant 65535 : i32
        %and3A_109 = vector.broadcast %and3A_108 : i32 to vector<16xi32>
        %and3A_110 = arith.andi %get3A_103, %and3A_109 : vector<16xi32>
        tpu.vector_store_idx %arg6[%and3A_110], %broadcast_in_dim3A_10 masked %eq3A_107 {add = true} : memref<65536xi32, #tpu.memory_space<vmem>>[vector<16xi32>], vector<16xi32>, vector<16xi1>
        %scan3A_111 = arith.constant 0 : i32
        scf.yield %scan3A_111 : i32
      }
      %scan3A_31 = arith.constant 256 : i32
      %scan3A_32 = arith.constant 0 : i32
      scf.yield %scan3A_32 : i32
    }
    %scan3A_19 = arith.constant 32 : i32
    "tpu.region"() ({
      %run_scoped3A = tpu.sem_alloc : memref<!tpu.dma_semaphore, #tpu.memory_space<semaphore_mem>>
      %dma_start3A = arith.constant 0 : i32
      %dma_start3A_20 = tpu.memref_slice %arg4[%add3A, %dma_start3A] : memref<32x65536xi32, #tpu.memory_space<hbm>> -> memref<1x65536xi32, #tpu.memory_space<hbm>>
      %dma_start3A_21 = tpu.memref_squeeze %dma_start3A_20 : memref<1x65536xi32, #tpu.memory_space<hbm>> -> memref<65536xi32, #tpu.memory_space<hbm>>
      %dma_start3A_22 = arith.constant 0 : i32
      %dma_start3A_23 = tpu.memref_slice %arg4[%add3A, %dma_start3A_22] : memref<32x65536xi32, #tpu.memory_space<hbm>> -> memref<1x65536xi32, #tpu.memory_space<hbm>>
      %dma_start3A_24 = tpu.memref_squeeze %dma_start3A_23 : memref<1x65536xi32, #tpu.memory_space<hbm>> -> memref<65536xi32, #tpu.memory_space<hbm>>
      tpu.enqueue_dma source(%arg6 : memref<65536xi32, #tpu.memory_space<vmem>>) target(%dma_start3A_24 : memref<65536xi32, #tpu.memory_space<hbm>>) target_semaphore(%run_scoped3A : memref<!tpu.dma_semaphore, #tpu.memory_space<semaphore_mem>>)
      %dma_wait3A = arith.constant 0 : i32
      %dma_wait3A_25 = tpu.memref_slice %arg4[%add3A, %dma_wait3A] : memref<32x65536xi32, #tpu.memory_space<hbm>> -> memref<1x65536xi32, #tpu.memory_space<hbm>>
      %dma_wait3A_26 = tpu.memref_squeeze %dma_wait3A_25 : memref<1x65536xi32, #tpu.memory_space<hbm>> -> memref<65536xi32, #tpu.memory_space<hbm>>
      %dma_wait3A_27 = arith.constant 0 : i32
      %dma_wait3A_28 = tpu.memref_slice %arg4[%add3A, %dma_wait3A_27] : memref<32x65536xi32, #tpu.memory_space<hbm>> -> memref<1x65536xi32, #tpu.memory_space<hbm>>
      %dma_wait3A_29 = tpu.memref_squeeze %dma_wait3A_28 : memref<1x65536xi32, #tpu.memory_space<hbm>> -> memref<65536xi32, #tpu.memory_space<hbm>>
      tpu.wait_dma2 semaphore(%run_scoped3A : memref<!tpu.dma_semaphore, #tpu.memory_space<semaphore_mem>>) src(%arg6 : memref<65536xi32, #tpu.memory_space<vmem>>) dst(%dma_wait3A_29 : memref<65536xi32, #tpu.memory_space<hbm>>)
      tpu.yield
    }) : () -> ()
    return
  }
}

module attributes {stable_mosaic.version = 14 : i64} {
  func.func @_prep_kernel(%arg0: i32, %arg1: memref<512x1000xf32, #tpu.memory_space<vmem>>, %arg2: memref<512x1000xi32, #tpu.memory_space<vmem>>, %arg3: memref<512x1024xi32, #tpu.memory_space<vmem>>, %arg4: memref<512x1024xf32, #tpu.memory_space<vmem>>, %arg5: memref<1x1000xf32, #tpu.memory_space<vmem>>) attributes {dimension_semantics = [#tpu.dimension_semantics<arbitrary>], iteration_bounds = array<i64: 32>, scalar_prefetch = 0 : i64, scratch_operands = 0 : i64, tpu.core_type = #tpu.core_type<tc>, window_params = [{transform_indices = @transform_0, window_bounds = array<i64: 512, 1000>}, {transform_indices = @transform_1, window_bounds = array<i64: 512, 1000>}, {transform_indices = @transform_2, window_bounds = array<i64: 512, 1024>}, {transform_indices = @transform_3, window_bounds = array<i64: 512, 1024>}, {pipeline_mode = #tpu.pipeline_mode<synchronous>, transform_indices = @transform_4, window_bounds = array<i64: 1, 1000>}]} {
    %get3A = arith.constant 0 : index
    %get3A_0 = arith.constant 0 : index
    %get3A_1 = vector.load %arg1[%get3A, %get3A_0] : memref<512x1000xf32, #tpu.memory_space<vmem>>, vector<512x1000xf32>
    %get3A_2 = arith.constant 0 : index
    %get3A_3 = arith.constant 0 : index
    %get3A_4 = vector.load %arg2[%get3A_2, %get3A_3] : memref<512x1000xi32, #tpu.memory_space<vmem>>, vector<512x1000xi32>
    %max3A = arith.constant 0 : i32
    %max3A_5 = vector.broadcast %max3A : i32 to vector<512x1000xi32>
    %max3A_6 = arith.maxsi %get3A_4, %max3A_5 : vector<512x1000xi32>
    %convert_element_type3A = arith.sitofp %max3A_6 : vector<512x1000xi32> to vector<512x1000xf32>
    %abs3A = math.absf %get3A_1 : vector<512x1000xf32>
    %neg3A = arith.constant 0.000000e+00 : f32
    %neg3A_7 = vector.broadcast %neg3A : f32 to vector<512x1000xf32>
    %neg3A_8 = arith.subf %neg3A_7, %abs3A : vector<512x1000xf32>
    %exp3A = math.exp %neg3A_8 : vector<512x1000xf32>
    %log1p3A = math.log1p %exp3A : vector<512x1000xf32>
    %max3A_9 = arith.constant 0.000000e+00 : f32
    %max3A_10 = vector.broadcast %max3A_9 : f32 to vector<512x1000xf32>
    %max3A_11 = arith.maximumf %get3A_1, %max3A_10 : vector<512x1000xf32>
    %mul3A = arith.mulf %get3A_1, %convert_element_type3A : vector<512x1000xf32>
    %sub3A = arith.subf %max3A_11, %mul3A : vector<512x1000xf32>
    %add3A = arith.addf %sub3A, %log1p3A : vector<512x1000xf32>
    %sub3A_12 = arith.constant 1.000000e+00 : f32
    %sub3A_13 = vector.broadcast %sub3A_12 : f32 to vector<512x1000xf32>
    %sub3A_14 = arith.subf %sub3A_13, %convert_element_type3A : vector<512x1000xf32>
    %mul3A_15 = arith.mulf %get3A_1, %sub3A_14 : vector<512x1000xf32>
    %sub3A_16 = arith.subf %max3A_11, %mul3A_15 : vector<512x1000xf32>
    %add3A_17 = arith.addf %sub3A_16, %log1p3A : vector<512x1000xf32>
    %eq3A = arith.constant 0 : i32
    %eq3A_18 = vector.broadcast %eq3A : i32 to vector<512x1000xi32>
    %eq3A_19 = arith.cmpi eq, %get3A_4, %eq3A_18 : vector<512x1000xi32>
    %jit3A = arith.constant 0.000000e+00 : f32
    %broadcast_in_dim3A = vector.broadcast %jit3A : f32 to vector<512x1000xf32>
    %select_n3A = arith.select %eq3A_19, %add3A, %broadcast_in_dim3A : vector<512x1000xi1>, vector<512x1000xf32>
    %bitcast_convert_type3A = tpu.bitcast %select_n3A : vector<512x1000xf32> -> vector<512x1000xi32>
    %mul3A_20 = arith.constant 2.000000e+00 : f32
    %mul3A_21 = vector.broadcast %mul3A_20 : f32 to vector<512x1000xf32>
    %mul3A_22 = arith.mulf %mul3A_21, %convert_element_type3A : vector<512x1000xf32>
    %sub3A_23 = arith.constant 1.000000e+00 : f32
    %sub3A_24 = vector.broadcast %sub3A_23 : f32 to vector<512x1000xf32>
    %sub3A_25 = arith.subf %sub3A_24, %mul3A_22 : vector<512x1000xf32>
    %mul3A_26 = arith.mulf %get3A_1, %sub3A_25 : vector<512x1000xf32>
    %broadcast_in_dim3A_27 = arith.constant 0 : i32
    %broadcast_in_dim3A_28 = vector.broadcast %broadcast_in_dim3A_27 : i32 to vector<512x24xi32>
    %broadcast_in_dim3A_29 = arith.constant 0.000000e+00 : f32
    %broadcast_in_dim3A_30 = vector.broadcast %broadcast_in_dim3A_29 : f32 to vector<512x24xf32>
    %concatenate3A = tpu.concatenate %bitcast_convert_type3A, %broadcast_in_dim3A_28 in 1 : vector<512x1000xi32>, vector<512x24xi32> -> vector<512x1024xi32>
    %swap3A = arith.constant 0 : index
    %swap3A_31 = arith.constant 0 : index
    %swap3A_32 = vector.load %arg3[%swap3A, %swap3A_31] : memref<512x1024xi32, #tpu.memory_space<vmem>>, vector<512x1024xi32>
    tpu.vector_store %arg3[%swap3A, %swap3A_31], %concatenate3A {strides = array<i32>} : memref<512x1024xi32, #tpu.memory_space<vmem>>, vector<512x1024xi32>,
    %concatenate3A_33 = tpu.concatenate %mul3A_26, %broadcast_in_dim3A_30 in 1 : vector<512x1000xf32>, vector<512x24xf32> -> vector<512x1024xf32>
    %swap3A_34 = arith.constant 0 : index
    %swap3A_35 = arith.constant 0 : index
    %swap3A_36 = vector.load %arg4[%swap3A_34, %swap3A_35] : memref<512x1024xf32, #tpu.memory_space<vmem>>, vector<512x1024xf32>
    tpu.vector_store %arg4[%swap3A_34, %swap3A_35], %concatenate3A_33 {strides = array<i32>} : memref<512x1024xf32, #tpu.memory_space<vmem>>, vector<512x1024xf32>,
    %eq3A_37 = arith.constant 0 : i32
    %eq3A_38 = arith.cmpi eq, %arg0, %eq3A_37 : i32
    %convert_element_type3A_39 = arith.extui %eq3A_38 : i1 to i32
    %cond3A = arith.constant 0 : i32
    %cond3A_40 = arith.cmpi ne, %convert_element_type3A_39, %cond3A : i32
    scf.if %cond3A_40 {
      %broadcast_in_dim3A_50 = arith.constant 0.000000e+00 : f32
      %broadcast_in_dim3A_51 = vector.broadcast %broadcast_in_dim3A_50 : f32 to vector<1x1000xf32>
      %swap3A_52 = arith.constant 0 : index
      %swap3A_53 = arith.constant 0 : index
      %swap3A_54 = vector.load %arg5[%swap3A_52, %swap3A_53] : memref<1x1000xf32, #tpu.memory_space<vmem>>, vector<1x1000xf32>
      tpu.vector_store %arg5[%swap3A_52, %swap3A_53], %broadcast_in_dim3A_51 {strides = array<i32>} : memref<1x1000xf32, #tpu.memory_space<vmem>>, vector<1x1000xf32>,
    } else {
    }
    %get3A_41 = arith.constant 0 : index
    %get3A_42 = arith.constant 0 : index
    %get3A_43 = vector.load %arg5[%get3A_41, %get3A_42] : memref<1x1000xf32, #tpu.memory_space<vmem>>, vector<1x1000xf32>
    %reduce_sum3A = arith.constant dense<0.000000e+00> : vector<1000xf32>
    %reduce_sum3A_44 = vector.multi_reduction <add>, %add3A_17, %reduce_sum3A [0] : vector<512x1000xf32> to vector<1000xf32>
    %broadcast_in_dim3A_45 = vector.shape_cast %reduce_sum3A_44 : vector<1000xf32> to vector<1x1000xf32>
    %add3A_46 = arith.addf %get3A_43, %broadcast_in_dim3A_45 : vector<1x1000xf32>
    %swap3A_47 = arith.constant 0 : index
    %swap3A_48 = arith.constant 0 : index
    %swap3A_49 = vector.load %arg5[%swap3A_47, %swap3A_48] : memref<1x1000xf32, #tpu.memory_space<vmem>>, vector<1x1000xf32>
    tpu.vector_store %arg5[%swap3A_47, %swap3A_48], %add3A_46 {strides = array<i32>} : memref<1x1000xf32, #tpu.memory_space<vmem>>, vector<1x1000xf32>,
    return
  }
  func.func @transform_0(%arg0: i32) -> (i32, i32) {
    %c0_i32 = arith.constant 0 : i32
    %c0_i32_0 = arith.constant 0 : i32
    return %arg0, %c0_i32 : i32, i32
  }
  func.func @transform_1(%arg0: i32) -> (i32, i32) {
    %c0_i32 = arith.constant 0 : i32
    %c0_i32_0 = arith.constant 0 : i32
    return %arg0, %c0_i32 : i32, i32
  }
  func.func @transform_2(%arg0: i32) -> (i32, i32) {
    %c0_i32 = arith.constant 0 : i32
    %c0_i32_0 = arith.constant 0 : i32
    return %arg0, %c0_i32 : i32, i32
  }
  func.func @transform_3(%arg0: i32) -> (i32, i32) {
    %c0_i32 = arith.constant 0 : i32
    %c0_i32_0 = arith.constant 0 : i32
    return %arg0, %c0_i32 : i32, i32
  }
  func.func @transform_4(%arg0: i32) -> (i32, i32) {
    %c0_i32 = arith.constant 0 : i32
    %c0_i32_0 = arith.constant 0 : i32
    %c0_i32_1 = arith.constant 0 : i32
    return %c0_i32, %c0_i32_0 : i32, i32
  }
}

</mosaic_0001>

<sc_bundles>
// kernel: sc_cnt_0.3.cloned.1.call-start
scs
__scs_entry_jumppad:
0x0: {  	(pc) =	sbr.rel $0x88, $3  }
0x1: {  	(tag) =	ssettag $0x0;
	lr =	simm.s32 $0x1  }
0x2: {  	[smem:$0x3F9E] =	sst lr;
	_ =	strace $0xD0000000  }
0x3: {  	_ = 	snop  }
0x4: {  	_ = 	snop  }
0x5: {  	_ = 	snop  }
0x6: {  	_ = 	snop  }
0x7: {  	_ = 	snop  }
__scs_overlays_trampoline_lowered:
0x8: {  	[smem:$0x3FAD] =	sst s0  }
0x9: {  	[smem:$0x3FAE] =	sst s1  }
0xa: {  	[smem:$0x3FAF] =	sst s2  }
0xb: {  	[smem:$0x3FB0] =	sst s3  }
0xc: {  	[smem:$0x3FB1] =	sst s4  }
0xd: {  	[smem:$0x3FB2] =	sst s5  }
0xe: {  	[smem:$0x3FB3] =	sst s6  }
0xf: {  	[smem:$0x3FB4] =	sst s7  }
0x10: {  	[smem:$0x3FB5] =	sst s8  }
0x11: {  	[smem:$0x3FB6] =	sst s9;
	s0 =	simm.s32 @!p0 $0x0  }
0x12: {  	s1 =	sld [smem:$0x3F9C];
	s0 =	simm.s32 @p0 $0x1  }
0x13: {  	[smem:$0x3FB7] =	sst s0;
	s0 =	simm.s32 @!p1 $0x0  }
0x14: {  	s2 =	sld [smem:$0x3F9B];
	s0 =	simm.s32 @p1 $0x1  }
0x15: {  	[smem:$0x3FB8] =	sst s0;
	s0 =	simm.s32 @!p2 $0x0  }
0x16: {  	s3 =	sld [smem:$0x3FDB];
	s0 =	simm.s32 @p2 $0x1  }
0x17: {  	s4 =	simm.s32 $0x1BF5;
	[smem:$0x3FBA] =	sst s0  }
0x18: {  	s0 =	sld [smem:$0x3F9D];
	_ =	swait.ge [sflag:s4], $0x0  }
0x19: {  	s7 =	sld [smem:$0x3F9E]  }
0x1a: {  	s8 =	sadd.s32 $0xFFFFE003, lr  }
0x1b: {  	s9 =	sadd.s32 $0xFFFFFEF7, lr;
	s5 =	simm.s32 $0xFFFFFFFF;
	p2 =	slt.u32 s8, $0xFFFFF086  }
0x1c: {  	p1 =	slt.u32 s9, $0xF7A;
	s5 =	simm.s32 @!p2 $0x0  }
0x1d: {  	s5 =	simm.s32 @p1 $0x1;
	p0 =	seq.s32 s7, s2  }
0x1e: {  	s7 =	smul.u32 @!p0 $0xF7A, s2;
	p2 =	seq.s32 @!p0 s5, $0x0  }
0x1f: {  	s9 =	smul.u32 $0xF7A, s1;
	s8 =	simm.s32 @!p0 $0x1BF5;
	p2 =	por !p2, p0  }
0x20: {  	[sflag:s8] =	ssyncset.s32 @!p0 $0xFFFFF086;
	s6 =	sadd.s32 @!p0 s3, s7;
	s7 =	simm.s32 @!p0 $0x108  }
0x21: {  	s3 =	sadd.s32 s3, s9;
	s6 =	sadd.s32 @!p0 $0x88, s6;
	s7 =	simm.s32 @p2 $0x1082  }
0x22: {  	[simem:s7], [sflag:s8] =	dma.local @!p0 [hbm:s6], $0xF7A  }
0x23: {  	s9 =	sor.u32 $0xD0000000, s2;
	s6 =	simm.s32 $0x108;
	_ =	swait.ge @!p0 [sflag:s8], $0x0  }
0x24: {  	s3 =	sadd.s32 $0x88, s3;
	s6 =	simm.s32 @!p1 $0x1082;
	[sflag:s4] =	ssyncset.s32 $0xFFFFF086  }
0x25: {  	[simem:s6], [sflag:s4] =	dma.local [hbm:s3], $0xF7A  }
0x26: {  	[smem:$0x3F9E] =	sst s1;
	(tag) =	ssettag s2;
	_ =	strace s9  }
0x27: {  	s1 =	sld [smem:$0x3FAE]  }
0x28: {  	s2 =	sld [smem:$0x3FAF]  }
0x29: {  	s4 =	sld [smem:$0x3FB1]  }
0x2a: {  	p0 =	seq.s32 s5, $0x0;
	s5 =	sld [smem:$0x3FB2]  }
0x2b: {  	s6 =	sld [smem:$0x3FB3]  }
0x2c: {  	s7 =	sld [smem:$0x3FB4]  }
0x2d: {  	s3 =	simm.s32 $0x108;
	s8 =	sld [smem:$0x3FB5]  }
0x2e: {  	s3 =	simm.s32 @!p0 $0x1082;
	s9 =	sld [smem:$0x3FB6]  }
0x2f: {  	lr =	sadd.s32 s0, s3;
	s0 =	sld [smem:$0x3FAD]  }
0x30: {  	s3 =	sld [smem:$0x3FB0]  }
0x31: {  	[smem:$0x3FB9] =	sst s10  }
0x32: {  	s10 =	sld [smem:$0x3FB7];
	_ =	sdelay $0x3  }
0x33: {  	p0 =	seq.s32 s10, $0x1;
	s10 =	sld [smem:$0x3FB9];
	_ =	sdelay $0x3  }
0x34: {  	[smem:$0x3FB9] =	sst s10  }
0x35: {  	s10 =	sld [smem:$0x3FB8];
	_ =	sdelay $0x3  }
0x36: {  	p1 =	seq.s32 s10, $0x1;
	s10 =	sld [smem:$0x3FB9];
	_ =	sdelay $0x3  }
0x37: {  	[smem:$0x3FB9] =	sst s10  }
0x38: {  	s10 =	sld [smem:$0x3FBA]  }
0x39: {  	_ = 	snop;
	(pc) =	sbr.ind lr, $3  }
0x3a: {  	_ = 	snop  }
0x3b: {  	_ = 	snop  }
0x3c: {  	p2 =	seq.s32 s10, $0x1;
	s10 =	sld [smem:$0x3FB9]  }
0x3d: {  	_ =	shalt  }
0x3e: {  	_ =	shalt  }
0x3f: {  	_ =	shalt  }
0x40: {  	_ =	shalt  }
0x41: {  	_ =	shalt  }
0x42: {  	_ =	shalt  }
0x43: {  	_ =	shalt  }
0x44: {  	_ =	shalt  }
0x45: {  	_ =	shalt  }
0x46: {  	_ =	shalt  }
0x47: {  	_ =	shalt  }
0x48: {  	_ =	shalt  }
0x49: {  	_ =	shalt  }
0x4a: {  	_ =	shalt  }
0x4b: {  	_ =	shalt  }
0x4c: {  	_ =	shalt  }
0x4d: {  	_ =	shalt  }
0x4e: {  	_ =	shalt  }
0x4f: {  	_ =	shalt  }
0x50: {  	_ =	shalt  }
0x51: {  	_ =	shalt  }
0x52: {  	_ =	shalt  }
0x53: {  	_ =	shalt  }
0x54: {  	_ =	shalt  }
0x55: {  	_ =	shalt  }
0x56: {  	_ =	shalt  }
0x57: {  	_ =	shalt  }
0x58: {  	_ =	shalt  }
0x59: {  	_ =	shalt  }
0x5a: {  	_ =	shalt  }
0x5b: {  	_ =	shalt  }
0x5c: {  	_ =	shalt  }
0x5d: {  	_ =	shalt  }
0x5e: {  	_ =	shalt  }
0x5f: {  	_ =	shalt  }
0x60: {  	_ =	shalt  }
0x61: {  	_ =	shalt  }
0x62: {  	_ =	shalt  }
0x63: {  	_ =	shalt  }
0x64: {  	_ =	shalt  }
0x65: {  	_ =	shalt  }
0x66: {  	_ =	shalt  }
0x67: {  	_ =	shalt  }
0x68: {  	_ =	shalt  }
0x69: {  	_ =	shalt  }
0x6a: {  	_ =	shalt  }
0x6b: {  	_ =	shalt  }
0x6c: {  	_ =	shalt  }
0x6d: {  	_ =	shalt  }
0x6e: {  	_ =	shalt  }
0x6f: {  	_ =	shalt  }
0x70: {  	_ =	shalt  }
0x71: {  	_ =	shalt  }
0x72: {  	_ =	shalt  }
0x73: {  	_ =	shalt  }
0x74: {  	_ =	shalt  }
0x75: {  	_ =	shalt  }
0x76: {  	_ =	shalt  }
0x77: {  	_ =	shalt  }
0x78: {  	_ =	shalt  }
0x79: {  	_ =	shalt  }
0x7a: {  	_ =	shalt  }
0x7b: {  	_ =	shalt  }
0x7c: {  	_ =	shalt  }
0x7d: {  	_ =	shalt  }
0x7e: {  	_ =	shalt  }
0x7f: {  	_ =	shalt  }
0x80: {  	_ =	shalt  }
0x81: {  	_ =	shalt  }
0x82: {  	_ =	shalt  }
0x83: {  	_ =	shalt  }
0x84: {  	_ =	shalt  }
0x85: {  	_ =	shalt  }
0x86: {  	_ =	shalt  }
0x87: {  	_ =	shalt  }
.Lfunc_end0:
.L_simem_size_0:
called_computation_lowered:
.L_overlay_start_0:
0x88: {  	s2 =	sld [smem:$0x3FD9]  }
0x89: {  	s3 =	sld [smem:$0x3FFE];
	_ =	sdelay $0x1  }
0x8a: {  	s1 =	srdreg.scid  }
0x8b: {  	s0 =	sand.u32 $0x1, s1  }
0x8c: {  	s17 =	sshll.u32 s0, $0xA;
	s2 =	sadd.s32 s3, s2  }
0x8d: {  	s2 =	sadd.s32 s2, s17  }
0x8e: {  	[smem:$0x3FC5] =	sst s2  }
0x8f: {  	_ = 	snop  }
0x90: {  	s2 =	sld [smem:$0x3FD0];
	(tm) =	ssettm $0x1  }
0x91: {  	s18 =	sld [smem:$0x3FFB];
	_ =	sdelay $0x3  }
0x92: {  	_ =	strace s18  }
0x93: {  	s3 =	sld [smem:$0x3FFC];
	_ =	sdelay $0x3  }
0x94: {  	_ =	strace s3  }
0x95: {  	s3 =	sld [smem:$0x3FFD];
	_ =	sdelay $0x3  }
0x96: {  	_ =	strace s3  }
0x97: {  	_ =	strace $0x8FFFFFFF  }
0x98: {  	s19 =	sld [smem:$0x3FDB];
	_ =	sdelay $0x1  }
0x99: {  	s4 =	simm.s32 $_scs_section_size  }
0x9a: {  	s5 =	simm.s32 $_size__tile_overlayer_lowered;
	s6 =	simm.s32 $_tile_overlayer_lowered  }
0x9b: {  	s22 =	simm.s32 $0x1BFF;
	s21 =	sshll.u32 s6, $0x1;
	s3 =	sadd.s32 s4, s19  }
0x9c: {  	s7 =	simm.s32 $0x0;
	s20 =	sshll.u32 s5, $0x1;
	s5 =	sadd.s32 s21, s3  }
0x9d: {  	[timem:s7], [sflag:s22] =	dma.local [hbm:s5], s20  }
0x9e: {  	_ =	swait.ge [sflag:s22], s20  }
0x9f: {  	s4 =	ssub.s32 $0x0, s20;
	[sflag:s22] =	ssyncset.done $0x0  }
0xa0: {  	[sflag:s22] =	ssyncadd.s32 s4;
	_ =	sdelay $0x1  }
0xa1: {  	s23 =	simm.s32 $0x1B8B  }
0xa2: {  	_ =	swait.ge [sflag:s23], $0x1  }
0xa3: {  	[sflag:s23] =	ssyncset.done $0x0  }
0xa4: {  	s25 =	simm.s32 $0x1B8E;
	s24 =	sld [smem:$0x3FFE];
	[sflag:s23] =	ssyncadd.s32 $0xFFFFFFFF  }
0xa5: {  	s26 =	simm.s32 $execute0_lowered;
	[smem:$0x3FD2] =	sst s25  }
0xa6: {  	s5 =	sshll.u32 s26, $0x1;
	_ =	strace $0x80000046;
	[dreg:$0x1] =	wrdreg $0xFFFFFFFF  }
0xa7: {  	s28 =	simm.s32 $_size_execute0_lowered;
	s3 =	sadd.s32 s3, s5;
	[dreg:$0x0] =	wrdreg $0x0  }
0xa8: {  	s5 =	sshll.u32 s28, $0x1;
	[dreg:$0x2] =	wrdreg s3  }
0xa9: {  	[dreg:$0x3] =	wrdreg s5  }
0xaa: {  	[dreg:$0x4] =	wrdreg $0xC0  }
0xab: {  	_ =	task [dreg:s7], $0x5FFFF  }
0xac: {  	[dreg:$0x1] =	wrdreg $0xFFFFFFFF  }
0xad: {  	[dreg:$0x0] =	wrdreg $0x60  }
0xae: {  	[dreg:$0x2] =	wrdreg s24  }
0xaf: {  	[dreg:$0x3] =	wrdreg s2  }
0xb0: {  	[dreg:$0x4] =	wrdreg $0x9  }
0xb1: {  	_ =	task.clear_ibuf [dreg:s7], $0x5FFFF;
	_ =	strace $0x90000046  }
0xb2: {  	s29 =	simm.s32 $0x9;
	_ =	strace $0x80000048  }
0xb3: {  	_ =	swait.ge [sflag:s29], $0x1  }
0xb4: {  	[sflag:s29] =	ssyncadd.s32 $0xFFFFFFFF  }
0xb5: {  	_ =	strace $0x90000048  }
0xb6: {  	_ =	sfence  }
0xb7: {  	s30 =	sld [smem:$0x0];
	_ =	sdelay $0x2  }
0xb8: {  	s31 =	sshll.u32 s1, $0xD;
	s1 =	sshrl.u32 s1, $0x2  }
0xb9: {  	s3 =	sand.u32 $0x4000, s31;
	s1 =	sadd.s32 s1, s30  }
0xba: {  	s0 =	sor.u32 s3, s0;
	s1 =	sshll.u32 s1, $0x11  }
0xbb: {  	s0 =	sor.u32 s1, s0  }
0xbc: {  	s0 =	sadd.s32 $0x8F2B, s0  }
0xbd: {  	[sflag:s0] =	ssyncadd.remote.s32 $0x1  }
0xbe: {  	_ =	sfence.sel $0xFFFF  }
0xbf: {  	[dreg:$0x0] =	wrdreg $0xFFFFFFFF;
	(pc) =	sbr.abs _section_cstart, $3  }
0xc0: {  	[dreg:$0x1] =	wrdreg $0xFFFFFFFF  }
0xc1: {  	_ =	task.clear_ibuf [dreg:s7], $0x2FFFF;
	_ =	strace $0x9FFFFFFF  }
0xc2: {  	(tm) =	ssettm $0x7FFFFFFF  }
0xc3: {  	_ =	shalt  }
tec
execute0_lowered:
.L_overlay_start_1:
0x0: {  	(tag) =	ssettag $0x1  }
0x1: {  	s1 =	srdreg.scid;
	s5 =	rddreg [dreg:$0x0]  }
0x2: {  	s0 =	stileid.u32;
	s2 =	rddreg [dreg:$0x1];
	s3 =	simm.s32 $0x0  }
0x3: {  	s8 =	simm.s32 $0x1;
	s4 =	sand.u32 $0x1, s1;
	s30 =	sshll.u32 s0, $0x1  }
0x4: {  	s9 =	simm.s32 $0x4000;
	s10 =	simm.s32 $0x80;
	s1 =	sor.u32 s4, s30  }
0x5: {  	s11 =	simm.s32 $0x400;
	s6 =	sshll.u32 s1, $0x10;
	s7 =	sshll.u32 s1, $0x7  }
0x6: {  	[smem:$0x7FF] =	sst s3;
	s4 =	ssub.s32 $0x2, s4;
	s7 =	sor.u32 s7, s6  }
0x7: {  	s1 =	rddreg [dreg:$0x2];
	_ =	strace $0x80000047;
	s7 =	sand.u32 $0x180380, s7  }
0x8: {  	s31 =	sshrl.u32 s4, $0x1;
	s6 =	sadd.s32 s6, s5;
	s7 =	sshrl.u32 s7, $0x3  }
0x9: {  	s5 =	sadd.s32 s7, s5;
	s7 =	ssub.s32 s4, s31;
	s4 =	sadd.s32 $0x400000, s6  }
0xa: {  	v0 =	vimm.s32 $0x0;
	v1 =	vimm.s32 $0x1;
	s5 =	sadd.s32 $0x200, s5;
	s6 =	smax.u32 s7, $0x1;
	s7 =	simm.s32 $0x14000  }
.LBB2_1:
0xb: {  	s13 =	simm.s32 $0x100;
	s12 =	simm.s32 $0x0  }
.LBB2_2:
0xc: {  	p0 =	sne.s32 s13, $0x3FF00;
	[tilespmem:s12+$0x4030] =	vst v0;
	s14 =	smov.u32 s13;
	s13 =	sadd.s32 $0x100, s13  }
.Ltmp0:
0xd: {  	[tilespmem:s12+$0x4020] =	vst v0;
	(pc) =	sbr.rel @p0 .LBB2_2-.Ltmp0, $3  }
0xe: {  	[tilespmem:s12+$0x4000] =	vst v0  }
0xf: {  	[tilespmem:s12+$0x4010] =	vst v0;
	_ =	sdelay $0x1  }
0x10: {  	s12 =	sshra.s32 s14, $0x2  }
0x11: {  	[tilespmem:s12+$0x4030] =	vst v0  }
0x12: {  	[tilespmem:s12+$0x4020] =	vst v0  }
0x13: {  	[tilespmem:s12+$0x4000] =	vst v0  }
0x14: {  	[tilespmem:s12+$0x4010] =	vst v0;
	s12 =	simm.s32 $0x0  }
0x15: {  	[tilespmem:s7], [sflag:$0x1] =	stream.linear.gather [hbm4b:s2+s12], $0x80, $0x38;
	[tilespmem:$0x14080] =	vst v63  }
0x16: {  	_ =	swait.ge [sflag:s8], $0x80  }
0x17: {  	[sflag:s8] =	ssyncset.done $0x0  }
0x18: {  	s13 =	simm.s32 $0x0;
	[sflag:s8] =	ssyncadd.s32 $0xFFFFFF80  }
.LBB2_4:
0x19: {  	s14 =	sshll.u32 s13, $0xB  }
0x1a: {  	s14 =	sadd.s32 s14, s4  }
0x1b: {  	[tilespmem:s12], [sflag:$0x1] =	stream.linear.gather [hbm4b:s14+s12], $0x4000, $0x38;
	[tilespmem:$0x14080] =	vst v63  }
0x1c: {  	_ =	swait.ge [sflag:s8], $0x4000  }
0x1d: {  	s15 =	simm.s32 $0x0;
	[sflag:s8] =	ssyncset.done $0x0  }
0x1e: {  	s16 =	simm.s32 $0x0;
	s14 =	simm.s32 $0x0;
	[sflag:s8] =	ssyncadd.s32 $0xFFFFC000  }
.LBB2_5:
0x1f: {  	s17 =	sshll.u32 s16, $0x6  }
0x20: {  	s18 =	sand.u32 $0x1C00, s15;
	s19 =	sshll.u32 s16, $0x3;
	s17 =	sand.u32 $0x2000, s17  }
0x21: {  	s19 =	sand.u32 $0x380, s19;
	s17 =	sor.u32 s18, s17  }
0x22: {  	s31 =	sand.u32 $0x40, s14;
	s17 =	sor.u32 s19, s17  }
0x23: {  	s17 =	sor.u32 s31, s17  }
0x24: {  	v2 =	vld [tilespmem:s17+$0x0];
	_ =	sdelay $0x4  }
0x25: {  	vm0 =	vne.s32 v2, $0x0  }
0x26: {  	v2 =	vshrl.u32 v2, $0x10;
	_ =	sdelay $0x4  }
0x27: {  	[tilespmem:v2+s9+$0x0] =	vst.idx.add.s32.msk vm0, v1  }
0x28: {  	v2 =	vld [tilespmem:s17+$0x10];
	_ =	sdelay $0x4  }
0x29: {  	vm13 =	vne.s32 v2, $0x0  }
0x2a: {  	v2 =	vshrl.u32 v2, $0x10;
	_ =	sdelay $0x4  }
0x2b: {  	[tilespmem:v2+s9+$0x0] =	vst.idx.add.s32.msk vm13, v1  }
0x2c: {  	v2 =	vld [tilespmem:s17+$0x20];
	_ =	sdelay $0x4  }
0x2d: {  	vm14 =	vne.s32 v2, $0x0  }
0x2e: {  	v2 =	vshrl.u32 v2, $0x10;
	_ =	sdelay $0x4  }
0x2f: {  	[tilespmem:v2+s9+$0x0] =	vst.idx.add.s32.msk vm14, v1  }
0x30: {  	v2 =	vld [tilespmem:s17+$0x30];
	_ =	sdelay $0x4  }
0x31: {  	vm15 =	vne.s32 v2, $0x0  }
0x32: {  	p0 =	sne.s32 s16, $0xFF;
	v2 =	vshrl.u32 v2, $0x10  }
.Ltmp1:
0x33: {  	_ = 	snop;
	(pc) =	sbr.rel @p0 .LBB2_5-.Ltmp1, $2  }
0x34: {  	_ =	sdelay $0x2  }
0x35: {  	s15 =	sadd.s32 $0x200, s15;
	s14 =	sadd.s32 $0x40, s14;
	s16 =	sadd.s32 $0x1, s16;
	[tilespmem:v2+s9+$0x0] =	vst.idx.add.s32.msk vm15, v1  }
0x36: {  	s13 =	sadd.s32 $0x1, s13  }
0x37: {  	p0 =	sne.s32 s13, $0x20  }
.Ltmp2:
0x38: {  	_ = 	snop;
	(pc) =	sbr.rel @p0 .LBB2_4-.Ltmp2, $1  }
0x39: {  	_ =	sdelay $0x3  }
0x3a: {  	s3 =	sadd.s32 $0x1, s3  }
0x3b: {  	p0 =	sne.s32 s3, s6  }
.Ltmp3:
0x3c: {  	_ = 	snop;
	(pc) =	sbr.rel @p0 .LBB2_1-.Ltmp3, $4  }
0x3d: {  	[hbm4b:s5+s10] =	stream.strided.scatter [tilespmem:s9], [sflag:$0x1], $0x10000, s11, s10, $0x38;
	[tilespmem:$0x14080] =	vst v63  }
0x3e: {  	_ =	swait.ge [sflag:s8], $0x10000  }
0x3f: {  	[sflag:s8] =	ssyncset.done $0x0  }
0x40: {  	[sflag:s8] =	ssyncadd.s32 $0xFFFF0000  }
0x41: {  	_ =	sfence.sel $0x180000  }
0x42: {  	[bflag:$0x0] =	sbarrier.arrive $0xFFFF  }
0x43: {  	p0 =	sne.s32 s0, $0x0;
	_ =	strace $0x90000047  }
0x44: {  	s0 =	sadd.s32 @!p0 $0x100000, s1;
	[bflag:$0x2] =	sbarrier.arrive $0xFFFF  }
0x45: {  	[sflag:s0] =	ssyncadd.tile.s32 @!p0 $0x1;
	_ =	shalt  }
.Lfunc_end2:
_tile_overlayer_lowered:
.L_overlay_start_2:
0x46: {  	(tag) =	ssettag $0x2  }
0x47: {  	s0 =	rddreg [dreg:$0x0];
	s2 =	stileid.u32  }
0x48: {  	s1 =	rddreg [dreg:$0x1];
	p0 =	sne.s32 s2, $0x0  }
0x49: {  	s3 =	rddreg [dreg:$0x2];
	[bflag:$0x3] =	sbarrier.arrive $0xFFFF;
	s2 =	simm.s32 @!p0 $0x1C01  }
0x4a: {  	[timem:s3], [sflag:s2] =	dma.local @!p0 [hbm:s0], s1  }
0x4b: {  	s0 =	simm.s32 @!p0 $0x1  }
0x4c: {  	_ =	swait.ge @!p0 [sflag:s0], s1  }
0x4d: {  	s1 =	ssub.s32 @!p0 $0x0, s1;
	[sflag:s0] =	ssyncset.done @!p0 $0x0  }
0x4e: {  	[sflag:s0] =	ssyncadd.s32 @!p0 s1  }
0x4f: {  	[bflag:$0x3] =	sbarrier.arrive $0xFFFF  }
0x50: {  	_ =	shalt  }

// kernel: sc_cnt_1.3.cloned.1.call-start
scs
__scs_entry_jumppad:
0x0: {  	(pc) =	sbr.rel $0x88, $3  }
0x1: {  	(tag) =	ssettag $0x0;
	lr =	simm.s32 $0x1  }
0x2: {  	[smem:$0x3F9E] =	sst lr;
	_ =	strace $0xD0000000  }
0x3: {  	_ = 	snop  }
0x4: {  	_ = 	snop  }
0x5: {  	_ = 	snop  }
0x6: {  	_ = 	snop  }
0x7: {  	_ = 	snop  }
__scs_overlays_trampoline_lowered:
0x8: {  	[smem:$0x3FAD] =	sst s0  }
0x9: {  	[smem:$0x3FAE] =	sst s1  }
0xa: {  	[smem:$0x3FAF] =	sst s2  }
0xb: {  	[smem:$0x3FB0] =	sst s3  }
0xc: {  	[smem:$0x3FB1] =	sst s4  }
0xd: {  	[smem:$0x3FB2] =	sst s5  }
0xe: {  	[smem:$0x3FB3] =	sst s6  }
0xf: {  	[smem:$0x3FB4] =	sst s7  }
0x10: {  	[smem:$0x3FB5] =	sst s8  }
0x11: {  	[smem:$0x3FB6] =	sst s9;
	s0 =	simm.s32 @!p0 $0x0  }
0x12: {  	s1 =	sld [smem:$0x3F9C];
	s0 =	simm.s32 @p0 $0x1  }
0x13: {  	[smem:$0x3FB7] =	sst s0;
	s0 =	simm.s32 @!p1 $0x0  }
0x14: {  	s2 =	sld [smem:$0x3F9B];
	s0 =	simm.s32 @p1 $0x1  }
0x15: {  	[smem:$0x3FB8] =	sst s0;
	s0 =	simm.s32 @!p2 $0x0  }
0x16: {  	s3 =	sld [smem:$0x3FDB];
	s0 =	simm.s32 @p2 $0x1  }
0x17: {  	s4 =	simm.s32 $0x1BF5;
	[smem:$0x3FBA] =	sst s0  }
0x18: {  	s0 =	sld [smem:$0x3F9D];
	_ =	swait.ge [sflag:s4], $0x0  }
0x19: {  	s7 =	sld [smem:$0x3F9E]  }
0x1a: {  	s8 =	sadd.s32 $0xFFFFE003, lr  }
0x1b: {  	s9 =	sadd.s32 $0xFFFFFEF7, lr;
	s5 =	simm.s32 $0xFFFFFFFF;
	p2 =	slt.u32 s8, $0xFFFFF086  }
0x1c: {  	p1 =	slt.u32 s9, $0xF7A;
	s5 =	simm.s32 @!p2 $0x0  }
0x1d: {  	s5 =	simm.s32 @p1 $0x1;
	p0 =	seq.s32 s7, s2  }
0x1e: {  	s7 =	smul.u32 @!p0 $0xF7A, s2;
	p2 =	seq.s32 @!p0 s5, $0x0  }
0x1f: {  	s9 =	smul.u32 $0xF7A, s1;
	s8 =	simm.s32 @!p0 $0x1BF5;
	p2 =	por !p2, p0  }
0x20: {  	[sflag:s8] =	ssyncset.s32 @!p0 $0xFFFFF086;
	s6 =	sadd.s32 @!p0 s3, s7;
	s7 =	simm.s32 @!p0 $0x108  }
0x21: {  	s3 =	sadd.s32 s3, s9;
	s6 =	sadd.s32 @!p0 $0x88, s6;
	s7 =	simm.s32 @p2 $0x1082  }
0x22: {  	[simem:s7], [sflag:s8] =	dma.local @!p0 [hbm:s6], $0xF7A  }
0x23: {  	s9 =	sor.u32 $0xD0000000, s2;
	s6 =	simm.s32 $0x108;
	_ =	swait.ge @!p0 [sflag:s8], $0x0  }
0x24: {  	s3 =	sadd.s32 $0x88, s3;
	s6 =	simm.s32 @!p1 $0x1082;
	[sflag:s4] =	ssyncset.s32 $0xFFFFF086  }
0x25: {  	[simem:s6], [sflag:s4] =	dma.local [hbm:s3], $0xF7A  }
0x26: {  	[smem:$0x3F9E] =	sst s1;
	(tag) =	ssettag s2;
	_ =	strace s9  }
0x27: {  	s1 =	sld [smem:$0x3FAE]  }
0x28: {  	s2 =	sld [smem:$0x3FAF]  }
0x29: {  	s4 =	sld [smem:$0x3FB1]  }
0x2a: {  	p0 =	seq.s32 s5, $0x0;
	s5 =	sld [smem:$0x3FB2]  }
0x2b: {  	s6 =	sld [smem:$0x3FB3]  }
0x2c: {  	s7 =	sld [smem:$0x3FB4]  }
0x2d: {  	s3 =	simm.s32 $0x108;
	s8 =	sld [smem:$0x3FB5]  }
0x2e: {  	s3 =	simm.s32 @!p0 $0x1082;
	s9 =	sld [smem:$0x3FB6]  }
0x2f: {  	lr =	sadd.s32 s0, s3;
	s0 =	sld [smem:$0x3FAD]  }
0x30: {  	s3 =	sld [smem:$0x3FB0]  }
0x31: {  	[smem:$0x3FB9] =	sst s10  }
0x32: {  	s10 =	sld [smem:$0x3FB7];
	_ =	sdelay $0x3  }
0x33: {  	p0 =	seq.s32 s10, $0x1;
	s10 =	sld [smem:$0x3FB9];
	_ =	sdelay $0x3  }
0x34: {  	[smem:$0x3FB9] =	sst s10  }
0x35: {  	s10 =	sld [smem:$0x3FB8];
	_ =	sdelay $0x3  }
0x36: {  	p1 =	seq.s32 s10, $0x1;
	s10 =	sld [smem:$0x3FB9];
	_ =	sdelay $0x3  }
0x37: {  	[smem:$0x3FB9] =	sst s10  }
0x38: {  	s10 =	sld [smem:$0x3FBA]  }
0x39: {  	_ = 	snop;
	(pc) =	sbr.ind lr, $3  }
0x3a: {  	_ = 	snop  }
0x3b: {  	_ = 	snop  }
0x3c: {  	p2 =	seq.s32 s10, $0x1;
	s10 =	sld [smem:$0x3FB9]  }
0x3d: {  	_ =	shalt  }
0x3e: {  	_ =	shalt  }
0x3f: {  	_ =	shalt  }
0x40: {  	_ =	shalt  }
0x41: {  	_ =	shalt  }
0x42: {  	_ =	shalt  }
0x43: {  	_ =	shalt  }
0x44: {  	_ =	shalt  }
0x45: {  	_ =	shalt  }
0x46: {  	_ =	shalt  }
0x47: {  	_ =	shalt  }
0x48: {  	_ =	shalt  }
0x49: {  	_ =	shalt  }
0x4a: {  	_ =	shalt  }
0x4b: {  	_ =	shalt  }
0x4c: {  	_ =	shalt  }
0x4d: {  	_ =	shalt  }
0x4e: {  	_ =	shalt  }
0x4f: {  	_ =	shalt  }
0x50: {  	_ =	shalt  }
0x51: {  	_ =	shalt  }
0x52: {  	_ =	shalt  }
0x53: {  	_ =	shalt  }
0x54: {  	_ =	shalt  }
0x55: {  	_ =	shalt  }
0x56: {  	_ =	shalt  }
0x57: {  	_ =	shalt  }
0x58: {  	_ =	shalt  }
0x59: {  	_ =	shalt  }
0x5a: {  	_ =	shalt  }
0x5b: {  	_ =	shalt  }
0x5c: {  	_ =	shalt  }
0x5d: {  	_ =	shalt  }
0x5e: {  	_ =	shalt  }
0x5f: {  	_ =	shalt  }
0x60: {  	_ =	shalt  }
0x61: {  	_ =	shalt  }
0x62: {  	_ =	shalt  }
0x63: {  	_ =	shalt  }
0x64: {  	_ =	shalt  }
0x65: {  	_ =	shalt  }
0x66: {  	_ =	shalt  }
0x67: {  	_ =	shalt  }
0x68: {  	_ =	shalt  }
0x69: {  	_ =	shalt  }
0x6a: {  	_ =	shalt  }
0x6b: {  	_ =	shalt  }
0x6c: {  	_ =	shalt  }
0x6d: {  	_ =	shalt  }
0x6e: {  	_ =	shalt  }
0x6f: {  	_ =	shalt  }
0x70: {  	_ =	shalt  }
0x71: {  	_ =	shalt  }
0x72: {  	_ =	shalt  }
0x73: {  	_ =	shalt  }
0x74: {  	_ =	shalt  }
0x75: {  	_ =	shalt  }
0x76: {  	_ =	shalt  }
0x77: {  	_ =	shalt  }
0x78: {  	_ =	shalt  }
0x79: {  	_ =	shalt  }
0x7a: {  	_ =	shalt  }
0x7b: {  	_ =	shalt  }
0x7c: {  	_ =	shalt  }
0x7d: {  	_ =	shalt  }
0x7e: {  	_ =	shalt  }
0x7f: {  	_ =	shalt  }
0x80: {  	_ =	shalt  }
0x81: {  	_ =	shalt  }
0x82: {  	_ =	shalt  }
0x83: {  	_ =	shalt  }
0x84: {  	_ =	shalt  }
0x85: {  	_ =	shalt  }
0x86: {  	_ =	shalt  }
0x87: {  	_ =	shalt  }
.Lfunc_end0:
.L_simem_size_0:
called_computation.1_lowered:
.L_overlay_start_0:
0x88: {  	s2 =	sld [smem:$0x3FD9]  }
0x89: {  	s3 =	sld [smem:$0x3FFE];
	_ =	sdelay $0x1  }
0x8a: {  	s1 =	srdreg.scid  }
0x8b: {  	s0 =	sand.u32 $0x1, s1  }
0x8c: {  	s16 =	sshll.u32 s0, $0xA;
	s2 =	sadd.s32 s3, s2  }
0x8d: {  	s2 =	sadd.s32 s2, s16  }
0x8e: {  	[smem:$0x3FC5] =	sst s2  }
0x8f: {  	_ = 	snop  }
0x90: {  	(tm) =	ssettm $0x1  }
0x91: {  	s17 =	sld [smem:$0x3FFB];
	_ =	sdelay $0x3  }
0x92: {  	_ =	strace s17  }
0x93: {  	s2 =	sld [smem:$0x3FFC];
	_ =	sdelay $0x3  }
0x94: {  	_ =	strace s2  }
0x95: {  	s2 =	sld [smem:$0x3FFD];
	_ =	sdelay $0x3  }
0x96: {  	_ =	strace s2  }
0x97: {  	_ =	strace $0x8FFFFFFF  }
0x98: {  	s18 =	sld [smem:$0x3FDB];
	_ =	sdelay $0x1  }
0x99: {  	s19 =	simm.s32 $_scs_section_size  }
0x9a: {  	s4 =	simm.s32 $_size__tile_overlayer_lowered;
	s5 =	simm.s32 $_tile_overlayer_lowered  }
0x9b: {  	s22 =	simm.s32 $0x1BFF;
	s21 =	sshll.u32 s5, $0x1;
	s2 =	sadd.s32 s19, s18  }
0x9c: {  	s6 =	simm.s32 $0x0;
	s20 =	sshll.u32 s4, $0x1;
	s4 =	sadd.s32 s21, s2  }
0x9d: {  	[timem:s6], [sflag:s22] =	dma.local [hbm:s4], s20  }
0x9e: {  	_ =	swait.ge [sflag:s22], s20  }
0x9f: {  	s3 =	ssub.s32 $0x0, s20;
	[sflag:s22] =	ssyncset.done $0x0  }
0xa0: {  	[sflag:s22] =	ssyncadd.s32 s3;
	_ =	sdelay $0x1  }
0xa1: {  	s23 =	simm.s32 $0x1B8B  }
0xa2: {  	_ =	swait.ge [sflag:s23], $0x1  }
0xa3: {  	[sflag:s23] =	ssyncset.done $0x0  }
0xa4: {  	s25 =	simm.s32 $0x1B8E;
	s24 =	sld [smem:$0x3FFE];
	[sflag:s23] =	ssyncadd.s32 $0xFFFFFFFF  }
0xa5: {  	s26 =	simm.s32 $execute0_lowered;
	[smem:$0x3FD2] =	sst s25  }
0xa6: {  	s4 =	sshll.u32 s26, $0x1;
	_ =	strace $0x80000049;
	[dreg:$0x1] =	wrdreg $0xFFFFFFFF  }
0xa7: {  	s28 =	simm.s32 $_size_execute0_lowered;
	s2 =	sadd.s32 s2, s4;
	[dreg:$0x0] =	wrdreg $0x0  }
0xa8: {  	s4 =	sshll.u32 s28, $0x1;
	[dreg:$0x2] =	wrdreg s2  }
0xa9: {  	[dreg:$0x3] =	wrdreg s4  }
0xaa: {  	[dreg:$0x4] =	wrdreg $0xC0  }
0xab: {  	_ =	task [dreg:s6], $0x5FFFF  }
0xac: {  	[dreg:$0x1] =	wrdreg $0xFFFFFFFF  }
0xad: {  	[dreg:$0x0] =	wrdreg $0x60  }
0xae: {  	[dreg:$0x2] =	wrdreg s24  }
0xaf: {  	[dreg:$0x3] =	wrdreg $0x9  }
0xb0: {  	_ =	task.clear_ibuf [dreg:s6], $0x4FFFF;
	_ =	strace $0x90000049  }
0xb1: {  	s29 =	simm.s32 $0x9;
	_ =	strace $0x8000004B  }
0xb2: {  	_ =	swait.ge [sflag:s29], $0x1  }
0xb3: {  	[sflag:s29] =	ssyncadd.s32 $0xFFFFFFFF  }
0xb4: {  	_ =	strace $0x9000004B  }
0xb5: {  	_ =	sfence  }
0xb6: {  	s30 =	sld [smem:$0x0];
	_ =	sdelay $0x2  }
0xb7: {  	s31 =	sshll.u32 s1, $0xD;
	s1 =	sshrl.u32 s1, $0x2  }
0xb8: {  	s3 =	sand.u32 $0x4000, s31;
	s1 =	sadd.s32 s1, s30  }
0xb9: {  	s0 =	sor.u32 s3, s0;
	s1 =	sshll.u32 s1, $0x11  }
0xba: {  	s0 =	sor.u32 s1, s0  }
0xbb: {  	s0 =	sadd.s32 $0x8F2B, s0  }
0xbc: {  	[sflag:s0] =	ssyncadd.remote.s32 $0x1  }
0xbd: {  	_ =	sfence.sel $0xFFFF  }
0xbe: {  	[dreg:$0x0] =	wrdreg $0xFFFFFFFF;
	(pc) =	sbr.abs _section_cstart, $3  }
0xbf: {  	[dreg:$0x1] =	wrdreg $0xFFFFFFFF  }
0xc0: {  	_ =	task.clear_ibuf [dreg:s6], $0x2FFFF;
	_ =	strace $0x9FFFFFFF  }
0xc1: {  	(tm) =	ssettm $0x7FFFFFFF  }
tec
execute0_lowered:
.L_overlay_start_1:
0x0: {  	(tag) =	ssettag $0x1  }
0x1: {  	s1 =	srdreg.scid;
	s0 =	stileid.u32  }
0x2: {  	s4 =	rddreg [dreg:$0x0];
	s8 =	simm.s32 $0x1;
	s9 =	simm.s32 $0x4000  }
0x3: {  	s10 =	simm.s32 $0x80;
	s3 =	sand.u32 $0x1, s1;
	s2 =	sshll.u32 s0, $0x1  }
0x4: {  	s11 =	simm.s32 $0x400;
	s1 =	rddreg [dreg:$0x1];
	s5 =	sor.u32 s3, s2  }
0x5: {  	s2 =	simm.s32 $0x0;
	s6 =	sshll.u32 s5, $0x10;
	s5 =	sshll.u32 s5, $0x7  }
0x6: {  	s7 =	ssub.s32 $0x2, s3;
	s3 =	sadd.s32 $0x200, s4;
	s5 =	sor.u32 s5, s6  }
0x7: {  	[smem:$0x7FF] =	sst s2;
	s31 =	sshrl.u32 s7, $0x1;
	s5 =	sand.u32 $0x180380, s5  }
0x8: {  	_ =	strace $0x8000004A;
	s6 =	sadd.s32 s6, s4;
	s5 =	sshrl.u32 s5, $0x3  }
0x9: {  	s7 =	ssub.s32 s7, s31;
	s5 =	sadd.s32 s5, s4;
	s4 =	sadd.s32 $0x400000, s6  }
0xa: {  	v0 =	vimm.s32 $0x0;
	v1 =	vimm.s32 $0x1;
	s6 =	smax.u32 s7, $0x1;
	s7 =	simm.s32 $0x14000;
	s5 =	sadd.s32 $0x40400, s5  }
.LBB2_1:
0xb: {  	s13 =	simm.s32 $0x100;
	s12 =	simm.s32 $0x0  }
.LBB2_2:
0xc: {  	p0 =	sne.s32 s13, $0x3FF00;
	[tilespmem:s12+$0x4030] =	vst v0;
	s14 =	smov.u32 s13;
	s13 =	sadd.s32 $0x100, s13  }
.Ltmp0:
0xd: {  	[tilespmem:s12+$0x4020] =	vst v0;
	(pc) =	sbr.rel @p0 .LBB2_2-.Ltmp0, $3  }
0xe: {  	[tilespmem:s12+$0x4000] =	vst v0  }
0xf: {  	[tilespmem:s12+$0x4010] =	vst v0;
	_ =	sdelay $0x1  }
0x10: {  	s12 =	sshra.s32 s14, $0x2  }
0x11: {  	[tilespmem:s12+$0x4030] =	vst v0  }
0x12: {  	[tilespmem:s12+$0x4020] =	vst v0  }
0x13: {  	[tilespmem:s12+$0x4000] =	vst v0  }
0x14: {  	[tilespmem:s12+$0x4010] =	vst v0;
	s12 =	simm.s32 $0x0  }
0x15: {  	[tilespmem:s7], [sflag:$0x1] =	stream.linear.gather [hbm4b:s3+s12], $0x80, $0x38;
	[tilespmem:$0x14080] =	vst v63  }
0x16: {  	_ =	swait.ge [sflag:s8], $0x80  }
0x17: {  	[sflag:s8] =	ssyncset.done $0x0  }
0x18: {  	[sflag:s8] =	ssyncadd.s32 $0xFFFFFF80  }
0x19: {  	s13 =	simm.s32 $0x0;
	v2 =	vld [tilespmem:$0x14000]  }
.LBB2_4:
0x1a: {  	s14 =	sshll.u32 s13, $0xB  }
0x1b: {  	s14 =	sadd.s32 s14, s4  }
0x1c: {  	[tilespmem:s12], [sflag:$0x1] =	stream.linear.gather [hbm4b:s14+s12], $0x4000, $0x38;
	[tilespmem:$0x14080] =	vst v63  }
0x1d: {  	_ =	swait.ge [sflag:s8], $0x4000  }
0x1e: {  	s15 =	simm.s32 $0x0;
	[sflag:s8] =	ssyncset.done $0x0  }
0x1f: {  	s16 =	simm.s32 $0x0;
	s14 =	simm.s32 $0x0;
	[sflag:s8] =	ssyncadd.s32 $0xFFFFC000  }
.LBB2_5:
0x20: {  	s17 =	sshll.u32 s16, $0x6  }
0x21: {  	s18 =	sand.u32 $0x1C00, s15;
	s19 =	sshll.u32 s16, $0x3;
	s17 =	sand.u32 $0x2000, s17  }
0x22: {  	s19 =	sand.u32 $0x380, s19;
	s17 =	sor.u32 s18, s17  }
0x23: {  	s31 =	sand.u32 $0x40, s14;
	s17 =	sor.u32 s19, s17  }
0x24: {  	s17 =	sor.u32 s31, s17  }
0x25: {  	v3 =	vld [tilespmem:s17+$0x0];
	_ =	sdelay $0x4  }
0x26: {  	v4 =	vshrl.u32 v3, $0x10  }
0x27: {  	vm0 =	veq.s32 v4, v2  }
0x28: {  	v3 =	vand.u32 $0xFFFF, v3;
	_ =	sdelay $0x4  }
0x29: {  	[tilespmem:v3+s9+$0x0] =	vst.idx.add.s32.msk vm0, v1  }
0x2a: {  	v3 =	vld [tilespmem:s17+$0x10];
	_ =	sdelay $0x4  }
0x2b: {  	v61 =	vshrl.u32 v3, $0x10  }
0x2c: {  	vm13 =	veq.s32 v61, v2  }
0x2d: {  	v3 =	vand.u32 $0xFFFF, v3;
	_ =	sdelay $0x4  }
0x2e: {  	[tilespmem:v3+s9+$0x0] =	vst.idx.add.s32.msk vm13, v1  }
0x2f: {  	v3 =	vld [tilespmem:s17+$0x20];
	_ =	sdelay $0x4  }
0x30: {  	v62 =	vshrl.u32 v3, $0x10  }
0x31: {  	vm14 =	veq.s32 v62, v2  }
0x32: {  	v3 =	vand.u32 $0xFFFF, v3;
	_ =	sdelay $0x4  }
0x33: {  	[tilespmem:v3+s9+$0x0] =	vst.idx.add.s32.msk vm14, v1  }
0x34: {  	v3 =	vld [tilespmem:s17+$0x30];
	_ =	sdelay $0x4  }
0x35: {  	v63 =	vshrl.u32 v3, $0x10  }
0x36: {  	vm15 =	veq.s32 v63, v2  }
0x37: {  	p0 =	sne.s32 s16, $0xFF;
	v3 =	vand.u32 $0xFFFF, v3  }
.Ltmp1:
0x38: {  	_ = 	snop;
	(pc) =	sbr.rel @p0 .LBB2_5-.Ltmp1, $2  }
0x39: {  	_ =	sdelay $0x2  }
0x3a: {  	s15 =	sadd.s32 $0x200, s15;
	s14 =	sadd.s32 $0x40, s14;
	s16 =	sadd.s32 $0x1, s16;
	[tilespmem:v3+s9+$0x0] =	vst.idx.add.s32.msk vm15, v1  }
0x3b: {  	s13 =	sadd.s32 $0x1, s13  }
0x3c: {  	p0 =	sne.s32 s13, $0x20  }
.Ltmp2:
0x3d: {  	_ = 	snop;
	(pc) =	sbr.rel @p0 .LBB2_4-.Ltmp2, $1  }
0x3e: {  	_ =	sdelay $0x3  }
0x3f: {  	s2 =	sadd.s32 $0x1, s2  }
0x40: {  	p0 =	sne.s32 s2, s6  }
.Ltmp3:
0x41: {  	_ = 	snop;
	(pc) =	sbr.rel @p0 .LBB2_1-.Ltmp3, $4  }
0x42: {  	[hbm4b:s5+s10] =	stream.strided.scatter [tilespmem:s9], [sflag:$0x1], $0x10000, s11, s10, $0x38;
	[tilespmem:$0x14080] =	vst v63  }
0x43: {  	_ =	swait.ge [sflag:s8], $0x10000  }
0x44: {  	[sflag:s8] =	ssyncset.done $0x0  }
0x45: {  	[sflag:s8] =	ssyncadd.s32 $0xFFFF0000  }
0x46: {  	_ =	sfence.sel $0x180000  }
0x47: {  	[bflag:$0x0] =	sbarrier.arrive $0xFFFF  }
0x48: {  	p0 =	sne.s32 s0, $0x0;
	_ =	strace $0x9000004A  }
0x49: {  	s0 =	sadd.s32 @!p0 $0x100000, s1;
	[bflag:$0x2] =	sbarrier.arrive $0xFFFF  }
0x4a: {  	[sflag:s0] =	ssyncadd.tile.s32 @!p0 $0x1;
	_ =	shalt  }
.Lfunc_end2:
_tile_overlayer_lowered:
.L_overlay_start_2:
0x4b: {  	(tag) =	ssettag $0x2  }
0x4c: {  	s0 =	rddreg [dreg:$0x0];
	s2 =	stileid.u32  }
0x4d: {  	s1 =	rddreg [dreg:$0x1];
	p0 =	sne.s32 s2, $0x0  }
0x4e: {  	s3 =	rddreg [dreg:$0x2];
	[bflag:$0x3] =	sbarrier.arrive $0xFFFF;
	s2 =	simm.s32 @!p0 $0x1C01  }
0x4f: {  	[timem:s3], [sflag:s2] =	dma.local @!p0 [hbm:s0], s1  }
0x50: {  	s0 =	simm.s32 @!p0 $0x1  }
0x51: {  	_ =	swait.ge @!p0 [sflag:s0], s1  }
0x52: {  	s1 =	ssub.s32 @!p0 $0x0, s1;
	[sflag:s0] =	ssyncset.done @!p0 $0x0  }
0x53: {  	[sflag:s0] =	ssyncadd.s32 @!p0 s1  }
0x54: {  	[bflag:$0x3] =	sbarrier.arrive $0xFFFF  }
0x55: {  	_ =	shalt  }

// kernel: sc_sum.3.cloned.1.call-start
scs
__scs_entry_jumppad:
0x0: {  	(pc) =	sbr.rel $0x88, $3  }
0x1: {  	(tag) =	ssettag $0x0;
	lr =	simm.s32 $0x1  }
0x2: {  	[smem:$0x3F9E] =	sst lr;
	_ =	strace $0xD0000000  }
0x3: {  	_ = 	snop  }
0x4: {  	_ = 	snop  }
0x5: {  	_ = 	snop  }
0x6: {  	_ = 	snop  }
0x7: {  	_ = 	snop  }
__scs_overlays_trampoline_lowered:
0x8: {  	[smem:$0x3FAD] =	sst s0  }
0x9: {  	[smem:$0x3FAE] =	sst s1  }
0xa: {  	[smem:$0x3FAF] =	sst s2  }
0xb: {  	[smem:$0x3FB0] =	sst s3  }
0xc: {  	[smem:$0x3FB1] =	sst s4  }
0xd: {  	[smem:$0x3FB2] =	sst s5  }
0xe: {  	[smem:$0x3FB3] =	sst s6  }
0xf: {  	[smem:$0x3FB4] =	sst s7  }
0x10: {  	[smem:$0x3FB5] =	sst s8  }
0x11: {  	[smem:$0x3FB6] =	sst s9;
	s0 =	simm.s32 @!p0 $0x0  }
0x12: {  	s1 =	sld [smem:$0x3F9C];
	s0 =	simm.s32 @p0 $0x1  }
0x13: {  	[smem:$0x3FB7] =	sst s0;
	s0 =	simm.s32 @!p1 $0x0  }
0x14: {  	s2 =	sld [smem:$0x3F9B];
	s0 =	simm.s32 @p1 $0x1  }
0x15: {  	[smem:$0x3FB8] =	sst s0;
	s0 =	simm.s32 @!p2 $0x0  }
0x16: {  	s3 =	sld [smem:$0x3FDB];
	s0 =	simm.s32 @p2 $0x1  }
0x17: {  	s4 =	simm.s32 $0x1BF5;
	[smem:$0x3FBA] =	sst s0  }
0x18: {  	s0 =	sld [smem:$0x3F9D];
	_ =	swait.ge [sflag:s4], $0x0  }
0x19: {  	s7 =	sld [smem:$0x3F9E]  }
0x1a: {  	s8 =	sadd.s32 $0xFFFFE003, lr  }
0x1b: {  	s9 =	sadd.s32 $0xFFFFFEF7, lr;
	s5 =	simm.s32 $0xFFFFFFFF;
	p2 =	slt.u32 s8, $0xFFFFF086  }
0x1c: {  	p1 =	slt.u32 s9, $0xF7A;
	s5 =	simm.s32 @!p2 $0x0  }
0x1d: {  	s5 =	simm.s32 @p1 $0x1;
	p0 =	seq.s32 s7, s2  }
0x1e: {  	s7 =	smul.u32 @!p0 $0xF7A, s2;
	p2 =	seq.s32 @!p0 s5, $0x0  }
0x1f: {  	s9 =	smul.u32 $0xF7A, s1;
	s8 =	simm.s32 @!p0 $0x1BF5;
	p2 =	por !p2, p0  }
0x20: {  	[sflag:s8] =	ssyncset.s32 @!p0 $0xFFFFF086;
	s6 =	sadd.s32 @!p0 s3, s7;
	s7 =	simm.s32 @!p0 $0x108  }
0x21: {  	s3 =	sadd.s32 s3, s9;
	s6 =	sadd.s32 @!p0 $0x88, s6;
	s7 =	simm.s32 @p2 $0x1082  }
0x22: {  	[simem:s7], [sflag:s8] =	dma.local @!p0 [hbm:s6], $0xF7A  }
0x23: {  	s9 =	sor.u32 $0xD0000000, s2;
	s6 =	simm.s32 $0x108;
	_ =	swait.ge @!p0 [sflag:s8], $0x0  }
0x24: {  	s3 =	sadd.s32 $0x88, s3;
	s6 =	simm.s32 @!p1 $0x1082;
	[sflag:s4] =	ssyncset.s32 $0xFFFFF086  }
0x25: {  	[simem:s6], [sflag:s4] =	dma.local [hbm:s3], $0xF7A  }
0x26: {  	[smem:$0x3F9E] =	sst s1;
	(tag) =	ssettag s2;
	_ =	strace s9  }
0x27: {  	s1 =	sld [smem:$0x3FAE]  }
0x28: {  	s2 =	sld [smem:$0x3FAF]  }
0x29: {  	s4 =	sld [smem:$0x3FB1]  }
0x2a: {  	p0 =	seq.s32 s5, $0x0;
	s5 =	sld [smem:$0x3FB2]  }
0x2b: {  	s6 =	sld [smem:$0x3FB3]  }
0x2c: {  	s7 =	sld [smem:$0x3FB4]  }
0x2d: {  	s3 =	simm.s32 $0x108;
	s8 =	sld [smem:$0x3FB5]  }
0x2e: {  	s3 =	simm.s32 @!p0 $0x1082;
	s9 =	sld [smem:$0x3FB6]  }
0x2f: {  	lr =	sadd.s32 s0, s3;
	s0 =	sld [smem:$0x3FAD]  }
0x30: {  	s3 =	sld [smem:$0x3FB0]  }
0x31: {  	[smem:$0x3FB9] =	sst s10  }
0x32: {  	s10 =	sld [smem:$0x3FB7];
	_ =	sdelay $0x3  }
0x33: {  	p0 =	seq.s32 s10, $0x1;
	s10 =	sld [smem:$0x3FB9];
	_ =	sdelay $0x3  }
0x34: {  	[smem:$0x3FB9] =	sst s10  }
0x35: {  	s10 =	sld [smem:$0x3FB8];
	_ =	sdelay $0x3  }
0x36: {  	p1 =	seq.s32 s10, $0x1;
	s10 =	sld [smem:$0x3FB9];
	_ =	sdelay $0x3  }
0x37: {  	[smem:$0x3FB9] =	sst s10  }
0x38: {  	s10 =	sld [smem:$0x3FBA]  }
0x39: {  	_ = 	snop;
	(pc) =	sbr.ind lr, $3  }
0x3a: {  	_ = 	snop  }
0x3b: {  	_ = 	snop  }
0x3c: {  	p2 =	seq.s32 s10, $0x1;
	s10 =	sld [smem:$0x3FB9]  }
0x3d: {  	_ =	shalt  }
0x3e: {  	_ =	shalt  }
0x3f: {  	_ =	shalt  }
0x40: {  	_ =	shalt  }
0x41: {  	_ =	shalt  }
0x42: {  	_ =	shalt  }
0x43: {  	_ =	shalt  }
0x44: {  	_ =	shalt  }
0x45: {  	_ =	shalt  }
0x46: {  	_ =	shalt  }
0x47: {  	_ =	shalt  }
0x48: {  	_ =	shalt  }
0x49: {  	_ =	shalt  }
0x4a: {  	_ =	shalt  }
0x4b: {  	_ =	shalt  }
0x4c: {  	_ =	shalt  }
0x4d: {  	_ =	shalt  }
0x4e: {  	_ =	shalt  }
0x4f: {  	_ =	shalt  }
0x50: {  	_ =	shalt  }
0x51: {  	_ =	shalt  }
0x52: {  	_ =	shalt  }
0x53: {  	_ =	shalt  }
0x54: {  	_ =	shalt  }
0x55: {  	_ =	shalt  }
0x56: {  	_ =	shalt  }
0x57: {  	_ =	shalt  }
0x58: {  	_ =	shalt  }
0x59: {  	_ =	shalt  }
0x5a: {  	_ =	shalt  }
0x5b: {  	_ =	shalt  }
0x5c: {  	_ =	shalt  }
0x5d: {  	_ =	shalt  }
0x5e: {  	_ =	shalt  }
0x5f: {  	_ =	shalt  }
0x60: {  	_ =	shalt  }
0x61: {  	_ =	shalt  }
0x62: {  	_ =	shalt  }
0x63: {  	_ =	shalt  }
0x64: {  	_ =	shalt  }
0x65: {  	_ =	shalt  }
0x66: {  	_ =	shalt  }
0x67: {  	_ =	shalt  }
0x68: {  	_ =	shalt  }
0x69: {  	_ =	shalt  }
0x6a: {  	_ =	shalt  }
0x6b: {  	_ =	shalt  }
0x6c: {  	_ =	shalt  }
0x6d: {  	_ =	shalt  }
0x6e: {  	_ =	shalt  }
0x6f: {  	_ =	shalt  }
0x70: {  	_ =	shalt  }
0x71: {  	_ =	shalt  }
0x72: {  	_ =	shalt  }
0x73: {  	_ =	shalt  }
0x74: {  	_ =	shalt  }
0x75: {  	_ =	shalt  }
0x76: {  	_ =	shalt  }
0x77: {  	_ =	shalt  }
0x78: {  	_ =	shalt  }
0x79: {  	_ =	shalt  }
0x7a: {  	_ =	shalt  }
0x7b: {  	_ =	shalt  }
0x7c: {  	_ =	shalt  }
0x7d: {  	_ =	shalt  }
0x7e: {  	_ =	shalt  }
0x7f: {  	_ =	shalt  }
0x80: {  	_ =	shalt  }
0x81: {  	_ =	shalt  }
0x82: {  	_ =	shalt  }
0x83: {  	_ =	shalt  }
0x84: {  	_ =	shalt  }
0x85: {  	_ =	shalt  }
0x86: {  	_ =	shalt  }
0x87: {  	_ =	shalt  }
.Lfunc_end0:
.L_simem_size_0:
called_computation.2_lowered:
.L_overlay_start_0:
0x88: {  	s2 =	sld [smem:$0x3FD9]  }
0x89: {  	s3 =	sld [smem:$0x3FFE];
	_ =	sdelay $0x1  }
0x8a: {  	s1 =	srdreg.scid  }
0x8b: {  	s0 =	sand.u32 $0x1, s1  }
0x8c: {  	s16 =	sshll.u32 s0, $0xA;
	s2 =	sadd.s32 s3, s2  }
0x8d: {  	s2 =	sadd.s32 s2, s16  }
0x8e: {  	[smem:$0x3FC5] =	sst s2  }
0x8f: {  	_ = 	snop  }
0x90: {  	(tm) =	ssettm $0x1  }
0x91: {  	s17 =	sld [smem:$0x3FFB];
	_ =	sdelay $0x3  }
0x92: {  	_ =	strace s17  }
0x93: {  	s2 =	sld [smem:$0x3FFC];
	_ =	sdelay $0x3  }
0x94: {  	_ =	strace s2  }
0x95: {  	s2 =	sld [smem:$0x3FFD];
	_ =	sdelay $0x3  }
0x96: {  	_ =	strace s2  }
0x97: {  	_ =	strace $0x8FFFFFFF  }
0x98: {  	s18 =	sld [smem:$0x3FDB];
	_ =	sdelay $0x1  }
0x99: {  	s19 =	simm.s32 $_scs_section_size  }
0x9a: {  	s4 =	simm.s32 $_size__tile_overlayer_lowered;
	s5 =	simm.s32 $_tile_overlayer_lowered  }
0x9b: {  	s22 =	simm.s32 $0x1BFF;
	s21 =	sshll.u32 s5, $0x1;
	s2 =	sadd.s32 s19, s18  }
0x9c: {  	s6 =	simm.s32 $0x0;
	s20 =	sshll.u32 s4, $0x1;
	s4 =	sadd.s32 s21, s2  }
0x9d: {  	[timem:s6], [sflag:s22] =	dma.local [hbm:s4], s20  }
0x9e: {  	_ =	swait.ge [sflag:s22], s20  }
0x9f: {  	s3 =	ssub.s32 $0x0, s20;
	[sflag:s22] =	ssyncset.done $0x0  }
0xa0: {  	[sflag:s22] =	ssyncadd.s32 s3;
	_ =	sdelay $0x1  }
0xa1: {  	s23 =	simm.s32 $0x1B8B  }
0xa2: {  	_ =	swait.ge [sflag:s23], $0x1  }
0xa3: {  	[sflag:s23] =	ssyncset.done $0x0  }
0xa4: {  	s25 =	simm.s32 $0x1B8E;
	s24 =	sld [smem:$0x3FFE];
	[sflag:s23] =	ssyncadd.s32 $0xFFFFFFFF  }
0xa5: {  	s26 =	simm.s32 $execute0_lowered;
	[smem:$0x3FD2] =	sst s25  }
0xa6: {  	s4 =	sshll.u32 s26, $0x1;
	_ =	strace $0x8000004C;
	[dreg:$0x1] =	wrdreg $0xFFFFFFFF  }
0xa7: {  	s28 =	simm.s32 $_size_execute0_lowered;
	s2 =	sadd.s32 s2, s4;
	[dreg:$0x0] =	wrdreg $0x0  }
0xa8: {  	s4 =	sshll.u32 s28, $0x1;
	[dreg:$0x2] =	wrdreg s2  }
0xa9: {  	[dreg:$0x3] =	wrdreg s4  }
0xaa: {  	[dreg:$0x4] =	wrdreg $0xC0  }
0xab: {  	_ =	task [dreg:s6], $0x5FFFF  }
0xac: {  	[dreg:$0x1] =	wrdreg $0xFFFFFFFF  }
0xad: {  	[dreg:$0x0] =	wrdreg $0x60  }
0xae: {  	[dreg:$0x2] =	wrdreg s24  }
0xaf: {  	[dreg:$0x3] =	wrdreg $0x9  }
0xb0: {  	_ =	task.clear_ibuf [dreg:s6], $0x4FFFF;
	_ =	strace $0x9000004C  }
0xb1: {  	s29 =	simm.s32 $0x9;
	_ =	strace $0x8000004E  }
0xb2: {  	_ =	swait.ge [sflag:s29], $0x1  }
0xb3: {  	[sflag:s29] =	ssyncadd.s32 $0xFFFFFFFF  }
0xb4: {  	_ =	strace $0x9000004E  }
0xb5: {  	_ =	sfence  }
0xb6: {  	s30 =	sld [smem:$0x0];
	_ =	sdelay $0x2  }
0xb7: {  	s31 =	sshll.u32 s1, $0xD;
	s1 =	sshrl.u32 s1, $0x2  }
0xb8: {  	s3 =	sand.u32 $0x4000, s31;
	s1 =	sadd.s32 s1, s30  }
0xb9: {  	s0 =	sor.u32 s3, s0;
	s1 =	sshll.u32 s1, $0x11  }
0xba: {  	s0 =	sor.u32 s1, s0  }
0xbb: {  	s0 =	sadd.s32 $0x8F2B, s0  }
0xbc: {  	[sflag:s0] =	ssyncadd.remote.s32 $0x1  }
0xbd: {  	_ =	sfence.sel $0xFFFF  }
0xbe: {  	[dreg:$0x0] =	wrdreg $0xFFFFFFFF;
	(pc) =	sbr.abs _section_cstart, $3  }
0xbf: {  	[dreg:$0x1] =	wrdreg $0xFFFFFFFF  }
0xc0: {  	_ =	task.clear_ibuf [dreg:s6], $0x2FFFF;
	_ =	strace $0x9FFFFFFF  }
0xc1: {  	(tm) =	ssettm $0x7FFFFFFF  }
tec
execute0_lowered:
.L_overlay_start_1:
0x0: {  	(tag) =	ssettag $0x1  }
0x1: {  	s6 =	rddreg [dreg:$0x0]  }
0x2: {  	s0 =	rddreg [dreg:$0x1]  }
0x3: {  	s2 =	simm.s32 $0x0;
	s3 =	srdreg.scid;
	s1 =	stileid.u32  }
0x4: {  	s10 =	simm.s32 $0x1;
	s11 =	simm.s32 $0x4000;
	s12 =	simm.s32 $0x8080  }
0x5: {  	s13 =	simm.s32 $0x0;
	[smem:$0x7FF] =	sst s2;
	s5 =	sand.u32 $0x1, s3  }
0x6: {  	s4 =	sshll.u32 s1, $0x1;
	s3 =	sadd.s32 $0x400000, s6;
	_ =	strace $0x8000004D  }
0x7: {  	s7 =	sor.u32 s5, s4;
	s4 =	sadd.s32 $0x600000, s6;
	s9 =	ssub.s32 $0x2, s5  }
0x8: {  	s5 =	sadd.s32 $0x200, s6;
	s8 =	sshll.u32 s7, $0x4;
	s31 =	sshrl.u32 s9, $0x1  }
0x9: {  	s8 =	sadd.s32 s8, s6;
	s9 =	ssub.s32 s9, s31;
	s6 =	sshll.u32 s7, $0x10  }
0xa: {  	s7 =	sadd.s32 $0x400, s8;
	s8 =	smax.u32 s9, $0x1;
	s9 =	simm.s32 $0x8000  }
.LBB2_1:
0xb: {  	[tilespmem:s9], [sflag:$0x1] =	stream.linear.gather [hbm4b:s5+s2], $0x80, $0x38;
	[tilespmem:$0x8100] =	vst v63  }
0xc: {  	_ =	swait.ge [sflag:s10], $0x80  }
0xd: {  	[sflag:s10] =	ssyncset.done $0x0  }
0xe: {  	[sflag:s10] =	ssyncadd.s32 $0xFFFFFF80  }
0xf: {  	v0 =	vld [tilespmem:$0x8000];
	_ =	sdelay $0x2  }
0x10: {  	v1 =	vimm.f32 $0.0e+00;
	s14 =	simm.s32 $0x0  }
.LBB2_2:
0x11: {  	s15 =	sshll.u32 s14, $0xB  }
0x12: {  	s15 =	sadd.s32 s6, s15  }
0x13: {  	s17 =	simm.s32 $0x0;
	s16 =	sadd.s32 s3, s15  }
0x14: {  	[tilespmem:s17], [sflag:$0x1] =	stream.linear.gather [hbm4b:s16+s17], $0x4000, $0x38;
	[tilespmem:$0x8100] =	vst v63  }
0x15: {  	_ =	swait.ge [sflag:s10], $0x4000  }
0x16: {  	[sflag:s10] =	ssyncset.done $0x0  }
0x17: {  	s26 =	simm.s32 $0x0;
	s15 =	sadd.s32 s4, s15;
	[sflag:s10] =	ssyncadd.s32 $0xFFFFC000  }
0x18: {  	[tilespmem:s11], [sflag:$0x1] =	stream.linear.gather [hbm4b:s15+s17], $0x4000, $0x38;
	[tilespmem:$0x8100] =	vst v63  }
0x19: {  	s28 =	simm.s32 $0x0;
	s18 =	sand.u32 $0x1C00, s17;
	s15 =	sand.u32 $0x2000, s26  }
0x1a: {  	s16 =	sand.u32 $0x380, s28;
	_ =	swait.ge [sflag:s10], $0x4000;
	s15 =	sor.u32 s18, s15  }
0x1b: {  	s17 =	sand.u32 $0x40, s17;
	[sflag:s10] =	ssyncset.done $0x0;
	s15 =	sor.u32 s16, s15  }
0x1c: {  	[sflag:s10] =	ssyncadd.s32 $0xFFFFC000;
	s17 =	sor.u32 s17, s15  }
0x1d: {  	v2 =	vld [tilespmem:s17+$0x0]  }
0x1e: {  	v3 =	vld [tilespmem:s17+$0x4000]  }
0x1f: {  	v4 =	vld [tilespmem:s17+$0x10]  }
0x20: {  	s29 =	simm.s32 $0x200;
	s30 =	simm.s32 $0x40;
	v6 =	vld [tilespmem:s17+$0x4010]  }
0x21: {  	s31 =	simm.s32 $0x8;
	s16 =	sand.u32 $0x2000, s30;
	s15 =	sand.u32 $0x1C00, s29;
	v7 =	vld [tilespmem:s17+$0x20]  }
0x22: {  	s18 =	sand.u32 $0x380, s31;
	s15 =	sor.u32 s15, s16;
	v8 =	vld [tilespmem:s17+$0x4020];
	s16 =	simm.s32 $0x40;
	vm0 =	vlt.s32 v2, v0  }
0x23: {  	v9 =	vld [tilespmem:s17+$0x30];
	s19 =	sand.u32 $0x40, s16;
	s15 =	sor.u32 s18, s15;
	v2 =	vnsel vm0, $0x0, v3  }
0x24: {  	v5 =	vld [tilespmem:s17+$0x4030];
	s15 =	sor.u32 s19, s15;
	vm0 =	vlt.s32 v4, v0;
	v1 =	vadd.f32 v2, v1  }
0x25: {  	v4 =	vld [tilespmem:s15+$0x0];
	v3 =	vnsel vm0, $0x0, v6  }
0x26: {  	v2 =	vld [tilespmem:s15+$0x4000];
	vm0 =	vlt.s32 v7, v0;
	v6 =	vadd.f32 v3, v1  }
0x27: {  	s20 =	simm.s32 $0x80;
	v7 =	vnsel vm0, $0x0, v8;
	v1 =	vld [tilespmem:s15+$0x10]  }
0x28: {  	s17 =	simm.s32 $0x400;
	s18 =	simm.s32 $0x3;
	s19 =	simm.s32 $0x10;
	vm0 =	vlt.s32 v9, v0;
	v3 =	vld [tilespmem:s15+$0x4010];
	v6 =	vadd.f32 v7, v6  }
.LBB2_3:
0x29: {  	p0 =	sne.s32 s18, $0xFF;
	s20 =	sand.u32 $0x2000, s20;
	s21 =	sand.u32 $0x1C00, s17;
	v7 =	vld [tilespmem:s15+$0x20];
	v5 =	vnsel vm0, $0x0, v5  }
0x2a: {  	s19 =	sand.u32 $0x380, s19;
	s16 =	sadd.s32 $0x40, s16;
	s20 =	sor.u32 s21, s20;
	vm0 =	vlt.s32 v4, v0;
	v8 =	vld [tilespmem:s15+$0x4020];
	v4 =	vadd.f32 v5, v6  }
0x2b: {  	s21 =	sand.u32 $0x40, s16;
	s19 =	sor.u32 s19, s20;
	v2 =	vnsel vm0, $0x0, v2;
	v9 =	vld [tilespmem:s15+$0x30]  }
.Ltmp0:
0x2c: {  	v6 =	vadd.f32 v2, v4;
	vm0 =	vlt.s32 v1, v0;
	v5 =	vld [tilespmem:s15+$0x4030];
	s15 =	sor.u32 s21, s19;
	(pc) =	sbr.rel @p0 .LBB2_3-.Ltmp0, $4  }
0x2d: {  	v4 =	vld [tilespmem:s15+$0x0];
	v1 =	vnsel vm0, $0x0, v3  }
0x2e: {  	v2 =	vld [tilespmem:s15+$0x4000];
	v6 =	vadd.f32 v1, v6;
	vm0 =	vlt.s32 v7, v0  }
0x2f: {  	s17 =	sadd.s32 $0x200, s17;
	v1 =	vld [tilespmem:s15+$0x10];
	v7 =	vnsel vm0, $0x0, v8  }
0x30: {  	s20 =	sshll.u32 s18, $0x6;
	s19 =	sshll.u32 s18, $0x3;
	s18 =	sadd.s32 $0x1, s18;
	v3 =	vld [tilespmem:s15+$0x4010];
	v6 =	vadd.f32 v7, v6;
	vm0 =	vlt.s32 v9, v0  }
0x31: {  	s18 =	sand.u32 $0x2000, s20;
	s17 =	sand.u32 $0x1C00, s17;
	v7 =	vld [tilespmem:s15+$0x20];
	v5 =	vnsel vm0, $0x0, v5  }
0x32: {  	s31 =	sand.u32 $0x380, s19;
	v57 =	vld [tilespmem:s15+$0x4020];
	s16 =	sadd.s32 $0x40, s16;
	s17 =	sor.u32 s17, s18;
	vm8 =	vlt.s32 v4, v0;
	v5 =	vadd.f32 v5, v6  }
0x33: {  	v58 =	vld [tilespmem:s15+$0x30];
	s16 =	sand.u32 $0x40, s16;
	s17 =	sor.u32 s31, s17;
	v2 =	vnsel vm8, $0x0, v2  }
0x34: {  	s16 =	sor.u32 s16, s17;
	v2 =	vadd.f32 v2, v5;
	vm9 =	vlt.s32 v1, v0;
	v1 =	vld [tilespmem:s15+$0x4030]  }
0x35: {  	v59 =	vld [tilespmem:s16+$0x0];
	v3 =	vnsel vm9, $0x0, v3  }
0x36: {  	v8 =	vld [tilespmem:s16+$0x4000];
	v2 =	vadd.f32 v3, v2;
	vm10 =	vlt.s32 v7, v0  }
0x37: {  	v3 =	vld [tilespmem:s16+$0x10];
	v4 =	vnsel vm10, $0x0, v57  }
0x38: {  	v60 =	vld [tilespmem:s16+$0x4010];
	vm11 =	vlt.s32 v58, v0;
	v2 =	vadd.f32 v4, v2  }
0x39: {  	v61 =	vld [tilespmem:s16+$0x20];
	v1 =	vnsel vm11, $0x0, v1  }
0x3a: {  	v62 =	vld [tilespmem:s16+$0x4020];
	vm12 =	vlt.s32 v59, v0;
	v1 =	vadd.f32 v1, v2  }
0x3b: {  	v63 =	vld [tilespmem:s16+$0x30];
	v2 =	vnsel vm12, $0x0, v8  }
0x3c: {  	s14 =	sadd.s32 $0x1, s14;
	vm13 =	vlt.s32 v3, v0;
	v1 =	vadd.f32 v2, v1;
	v2 =	vld [tilespmem:s16+$0x4030]  }
0x3d: {  	p0 =	sne.s32 s14, $0x20;
	v3 =	vnsel vm13, $0x0, v60  }
.Ltmp1:
0x3e: {  	vm14 =	vlt.s32 v61, v0;
	v1 =	vadd.f32 v3, v1;
	(pc) =	sbr.rel @p0 .LBB2_2-.Ltmp1, $4  }
0x3f: {  	v3 =	vnsel vm14, $0x0, v62  }
0x40: {  	vm15 =	vlt.s32 v63, v0;
	v1 =	vadd.f32 v3, v1  }
0x41: {  	v2 =	vnsel vm15, $0x0, v2  }
0x42: {  	v1 =	vadd.f32 v2, v1  }
0x43: {  	s13 =	sadd.s32 $0x1, s13  }
0x44: {  	p0 =	sne.s32 s13, s8  }
.Ltmp2:
0x45: {  	[tilespmem:$0x8080] =	vst v1;
	(pc) =	sbr.rel @p0 .LBB2_1-.Ltmp2, $4  }
0x46: {  	[hbm4b:s7+s2] =	stream.linear.scatter [tilespmem:s12], [sflag:$0x1], $0x80, $0x38;
	[tilespmem:$0x8100] =	vst v63  }
0x47: {  	_ =	swait.ge [sflag:s10], $0x80  }
0x48: {  	[sflag:s10] =	ssyncset.done $0x0  }
0x49: {  	[sflag:s10] =	ssyncadd.s32 $0xFFFFFF80  }
0x4a: {  	_ =	sfence.sel $0x180000  }
0x4b: {  	[bflag:$0x0] =	sbarrier.arrive $0xFFFF  }
0x4c: {  	p0 =	sne.s32 s1, $0x0;
	_ =	strace $0x9000004D  }
0x4d: {  	s0 =	sadd.s32 @!p0 $0x100000, s0;
	[bflag:$0x2] =	sbarrier.arrive $0xFFFF  }
0x4e: {  	[sflag:s0] =	ssyncadd.tile.s32 @!p0 $0x1;
	_ =	shalt  }
.Lfunc_end2:
_tile_overlayer_lowered:
.L_overlay_start_2:
0x4f: {  	(tag) =	ssettag $0x2  }
0x50: {  	s0 =	rddreg [dreg:$0x0];
	s2 =	stileid.u32  }
0x51: {  	s1 =	rddreg [dreg:$0x1];
	p0 =	sne.s32 s2, $0x0  }
0x52: {  	s3 =	rddreg [dreg:$0x2];
	[bflag:$0x3] =	sbarrier.arrive $0xFFFF;
	s2 =	simm.s32 @!p0 $0x1C01  }
0x53: {  	[timem:s3], [sflag:s2] =	dma.local @!p0 [hbm:s0], s1  }
0x54: {  	s0 =	simm.s32 @!p0 $0x1  }
0x55: {  	_ =	swait.ge @!p0 [sflag:s0], s1  }
0x56: {  	s1 =	ssub.s32 @!p0 $0x0, s1;
	[sflag:s0] =	ssyncset.done @!p0 $0x0  }
0x57: {  	[sflag:s0] =	ssyncadd.s32 @!p0 s1  }
0x58: {  	[bflag:$0x3] =	sbarrier.arrive $0xFFFF  }
0x59: {  	_ =	shalt  }

</sc_bundles>
